<compile_context>
chip_gen: v7x
topology: tpu7x:2x2x1
jax: 0.10.2.dev20260603
libtpu: 0.0.44.dev20260713+nightly
codegen_flags: <defaults>
</compile_context>

<pallas_src>
import functools

import jax
import jax.numpy as jnp
from jax import lax
from jax.experimental import pallas as pl
from jax.experimental.pallas import tpu as pltpu
from jax.experimental.pallas import tpu_sc as plsc

NUM_EXPERTS = 64
HIDDEN = 1024
INTER = 512
TOKENS = 64
TOP_K = 8

EPB = 2
FC = INTER // 2

_PAIRS = TOKENS * TOP_K
_GRID = NUM_EXPERTS * TOKENS


def _combine_sc_body(idx_hbm, w_hbm, out_hbm, idx_v, w_v, acc_v):
    cid = lax.axis_index("c")
    sid = lax.axis_index("s")
    wid = sid * 2 + cid
    pltpu.sync_copy(idx_hbm, idx_v)
    pltpu.sync_copy(w_hbm, w_v)
    e0 = wid * 2
    e1 = e0 + 1
    zero = jnp.zeros((16,), jnp.float32)
    for c in range(TOKENS // 16):
        a0 = zero
        a1 = zero
        for k in range(TOP_K):
            iv = idx_v[pl.ds(k * TOKENS + c * 16, 16)]
            wv = w_v[pl.ds(k * TOKENS + c * 16, 16)]
            a0 = a0 + jnp.where(iv == e0, wv, 0.0)
            a1 = a1 + jnp.where(iv == e1, wv, 0.0)
        acc_v[pl.ds(c * 16, 16)] = a0
        acc_v[pl.ds(TOKENS + c * 16, 16)] = a1
    pltpu.sync_copy(acc_v, out_hbm.at[pl.ds(e0 * TOKENS, 2 * TOKENS)])


def _combine_sc(top_k_index, top_k_weights):
    mesh = plsc.VectorSubcoreMesh(core_axis_name="c", subcore_axis_name="s")
    k = functools.partial(
        pl.kernel,
        mesh=mesh,
        out_type=jax.ShapeDtypeStruct((_GRID,), jnp.float32),
        scratch_types=[
            pltpu.VMEM((_PAIRS,), jnp.int32),
            pltpu.VMEM((_PAIRS,), jnp.float32),
            pltpu.VMEM((2 * TOKENS,), jnp.float32),
        ],
    )(_combine_sc_body)
    flat = k(top_k_index.T.reshape(_PAIRS), top_k_weights.T.reshape(_PAIRS))
    return flat.reshape(NUM_EXPERTS, 1, TOKENS)


def _moe_body(x_ref, cw_ref, g0_ref, g1_ref, u0_ref, u1_ref,
              dn0_ref, dn1_ref, out_ref):
    step = pl.program_id(0)
    x = x_ref[...]
    acc = jnp.zeros((TOKENS, HIDDEN), jnp.float32)
    for i in range(EPB):
        hs = []
        for g_ref, u_ref in ((g0_ref, u0_ref), (g1_ref, u1_ref)):
            gate = jax.lax.dot_general(
                x, g_ref[i], (((1,), (1,)), ((), ())),
                preferred_element_type=jnp.float32)
            up = jax.lax.dot_general(
                x, u_ref[i], (((1,), (1,)), ((), ())),
                preferred_element_type=jnp.float32)
            hs.append(gate * jax.nn.sigmoid(gate) * up)
        h = jnp.concatenate(hs, axis=1)
        out0 = jax.lax.dot_general(
            h, dn0_ref[i], (((1,), (1,)), ((), ())),
            preferred_element_type=jnp.float32)
        out1 = jax.lax.dot_general(
            h, dn1_ref[i], (((1,), (1,)), ((), ())),
            preferred_element_type=jnp.float32)
        out_e = jnp.concatenate([out0, out1], axis=1)
        combine = cw_ref[i, 0]
        acc = acc + out_e * combine[:, None]

    @pl.when(step == 0)
    def _init():
        out_ref[...] = acc

    @pl.when(step > 0)
    def _accum():
        out_ref[...] += acc


def kernel(hidden_states, top_k_index, top_k_weights, gate_up_proj, down_proj):
    combine = _combine_sc(top_k_index, top_k_weights)
    return pl.pallas_call(
        _moe_body,
        grid=(NUM_EXPERTS // EPB,),
        in_specs=[
            pl.BlockSpec((TOKENS, HIDDEN), lambda e: (0, 0)),
            pl.BlockSpec((EPB, 1, TOKENS), lambda e: (e, 0, 0)),
            pl.BlockSpec((EPB, FC, HIDDEN), lambda e: (e, 0, 0)),
            pl.BlockSpec((EPB, FC, HIDDEN), lambda e: (e, 1, 0)),
            pl.BlockSpec((EPB, FC, HIDDEN), lambda e: (e, 2, 0)),
            pl.BlockSpec((EPB, FC, HIDDEN), lambda e: (e, 3, 0)),
            pl.BlockSpec((EPB, HIDDEN // 2, INTER), lambda e: (e, 0, 0)),
            pl.BlockSpec((EPB, HIDDEN // 2, INTER), lambda e: (e, 1, 0)),
        ],
        out_specs=pl.BlockSpec((TOKENS, HIDDEN), lambda e: (0, 0)),
        out_shape=jax.ShapeDtypeStruct((TOKENS, HIDDEN), jnp.float32),
        compiler_params=pltpu.CompilerParams(
            dimension_semantics=("arbitrary",),
        ),
    )(hidden_states, combine,
      gate_up_proj, gate_up_proj, gate_up_proj, gate_up_proj,
      down_proj, down_proj)

# --- scband reference (transcript-rebuilt; emitter-appended) ---
"""Pipeline reference for scband-glm4-moe-naive-moe-hybrid-1657857376742 (READ-ONLY COPY).

The authoritative reference and input builder live on the scoring server;
editing this copy changes nothing except your own understanding.
"""

import jax, jax.numpy as jnp
import numpy as np

NUM_EXPERTS = 64
HIDDEN = 1024
INTER = 512
TOKENS = 64
TOP_K = 8


def setup_inputs(seed: int = 0) -> dict:
    key = jax.random.key(seed)
    k1, k2, k3, k4, k5 = jax.random.split(key, 5)
    hidden_states = jax.random.normal(k1, (TOKENS, HIDDEN), dtype=jnp.float32)
    top_k_index = jax.random.randint(k2, (TOKENS, TOP_K), 0, NUM_EXPERTS, dtype=jnp.int64 if jax.config.jax_enable_x64 else jnp.int32).astype(jnp.int32)
    top_k_weights = jax.random.uniform(k3, (TOKENS, TOP_K), dtype=jnp.float32)
    gate_up_proj = jax.random.normal(k4, (NUM_EXPERTS, 2 * INTER, HIDDEN), dtype=jnp.float32) * 0.02
    down_proj = jax.random.normal(k5, (NUM_EXPERTS, HIDDEN, INTER), dtype=jnp.float32) * 0.02
    return {
        "hidden_states": hidden_states,
        "top_k_index": top_k_index,
        "top_k_weights": top_k_weights,
        "gate_up_proj": gate_up_proj,
        "down_proj": down_proj,
    }


def reference(hidden_states, top_k_index, top_k_weights, gate_up_proj, down_proj):
    # Faithful math of Glm4MoeNaiveMoeHybrid.forward:
    # for each expert e: y_e = silu(x @ Wg_e^T) * (x @ Wu_e^T) @ Wd_e^T
    # final[t] = sum_k top_k_weights[t,k] * y_{top_k_index[t,k]}[t]
    # Implemented densely over experts (unrouted contributions masked to zero),
    # which is mathematically identical to the per-expert gather/index_add loop.
    E = gate_up_proj.shape[0]
    f = down_proj.shape[-1]
    gu = jnp.einsum("td,efd->etf", hidden_states, gate_up_proj)  # [E, T, 2f]
    gate = gu[..., :f]
    up = gu[..., f:]
    h = jax.nn.silu(gate) * up  # [E, T, f]
    expert_out = jnp.einsum("etf,edf->etd", h, down_proj)  # [E, T, d]
    one_hot = jax.nn.one_hot(top_k_index, E, dtype=hidden_states.dtype)  # [T, K, E]
    combine = jnp.einsum("tke,tk->et", one_hot, top_k_weights)  # [E, T]
    final_hidden_states = jnp.einsum("etd,et->td", expert_out, combine)  # [T, d]
    return final_hidden_states

if __name__ == "__main__":
    import jax
    _d = setup_inputs()
    print(jax.jit(kernel)(*tuple(_d.values())))

</pallas_src>

<mosaic_0001>
#map = affine_map<(d0, d1) -> (0)>
module attributes {stable_mosaic.version = 14 : i64} {
  func.func @_combine_sc_body(%arg0: i32, %arg1: i32, %arg2: memref<512xi32, #tpu.memory_space<hbm>>, %arg3: memref<512xf32, #tpu.memory_space<hbm>>, %arg4: memref<4096xf32, #tpu.memory_space<hbm>>, %arg5: memref<512xi32, #tpu.memory_space<vmem>>, %arg6: memref<512xf32, #tpu.memory_space<vmem>>, %arg7: memref<128xf32, #tpu.memory_space<vmem>>) attributes {dimension_semantics = [#tpu.dimension_semantics<core_parallel>, #tpu.dimension_semantics<subcore_parallel>], iteration_bounds = array<i64: 2, 16>, scalar_prefetch = 0 : i64, scratch_operands = 3 : i64, tpu.core_type = #tpu.core_type<sc_vector_subcore>, window_params = [{transform_indices = #map}, {transform_indices = #map}, {transform_indices = #map}]} {
    %mul3A = arith.constant 2 : i32
    %mul3A_0 = arith.muli %arg1, %mul3A : i32
    %add3A = arith.addi %mul3A_0, %arg0 : i32
    "tpu.region"() ({
      %run_scoped3A = tpu.sem_alloc : memref<!tpu.dma_semaphore, #tpu.memory_space<semaphore_mem>>
      tpu.enqueue_dma source(%arg2 : memref<512xi32, #tpu.memory_space<hbm>>) target(%arg5 : memref<512xi32, #tpu.memory_space<vmem>>) target_semaphore(%run_scoped3A : memref<!tpu.dma_semaphore, #tpu.memory_space<semaphore_mem>>)
      tpu.wait_dma2 semaphore(%run_scoped3A : memref<!tpu.dma_semaphore, #tpu.memory_space<semaphore_mem>>) src(%arg2 : memref<512xi32, #tpu.memory_space<hbm>>) dst(%arg5 : memref<512xi32, #tpu.memory_space<vmem>>)
      tpu.yield
    }) : () -> ()
    "tpu.region"() ({
      %run_scoped3A = tpu.sem_alloc : memref<!tpu.dma_semaphore, #tpu.memory_space<semaphore_mem>>
      tpu.enqueue_dma source(%arg3 : memref<512xf32, #tpu.memory_space<hbm>>) target(%arg6 : memref<512xf32, #tpu.memory_space<vmem>>) target_semaphore(%run_scoped3A : memref<!tpu.dma_semaphore, #tpu.memory_space<semaphore_mem>>)
      tpu.wait_dma2 semaphore(%run_scoped3A : memref<!tpu.dma_semaphore, #tpu.memory_space<semaphore_mem>>) src(%arg3 : memref<512xf32, #tpu.memory_space<hbm>>) dst(%arg6 : memref<512xf32, #tpu.memory_space<vmem>>)
      tpu.yield
    }) : () -> ()
    %mul3A_1 = arith.constant 2 : i32
    %mul3A_2 = arith.muli %add3A, %mul3A_1 : i32
    %add3A_3 = arith.constant 1 : i32
    %add3A_4 = arith.addi %mul3A_2, %add3A_3 : i32
    %broadcast_in_dim3A = arith.constant 0.000000e+00 : f32
    %broadcast_in_dim3A_5 = vector.broadcast %broadcast_in_dim3A : f32 to vector<16xf32>
    %get3A = arith.constant 0 : index
    %get3A_6 = tpu.vector_load %arg5[%get3A] {strides = array<i32>} : memref<512xi32, #tpu.memory_space<vmem>>, vector<16xi32>,
    %get3A_7 = vector.shape_cast %get3A_6 : vector<16xi32> to vector<16xi32>
    %get3A_8 = arith.constant 0 : index
    %get3A_9 = tpu.vector_load %arg6[%get3A_8] {strides = array<i32>} : memref<512xf32, #tpu.memory_space<vmem>>, vector<16xf32>,
    %get3A_10 = vector.shape_cast %get3A_9 : vector<16xf32> to vector<16xf32>
    %eq3A = vector.broadcast %mul3A_2 : i32 to vector<16xi32>
    %eq3A_11 = arith.cmpi eq, %get3A_7, %eq3A : vector<16xi32>
    %jit3A = arith.constant 0.000000e+00 : f32
    %broadcast_in_dim3A_12 = vector.broadcast %jit3A : f32 to vector<16xf32>
    %select_n3A = arith.select %eq3A_11, %get3A_10, %broadcast_in_dim3A_12 : vector<16xi1>, vector<16xf32>
    %add3A_13 = arith.addf %broadcast_in_dim3A_5, %select_n3A : vector<16xf32>
    %eq3A_14 = vector.broadcast %add3A_4 : i32 to vector<16xi32>
    %eq3A_15 = arith.cmpi eq, %get3A_7, %eq3A_14 : vector<16xi32>
    %jit3A_16 = arith.constant 0.000000e+00 : f32
    %broadcast_in_dim3A_17 = vector.broadcast %jit3A_16 : f32 to vector<16xf32>
    %select_n3A_18 = arith.select %eq3A_15, %get3A_10, %broadcast_in_dim3A_17 : vector<16xi1>, vector<16xf32>
    %add3A_19 = arith.addf %broadcast_in_dim3A_5, %select_n3A_18 : vector<16xf32>
    %get3A_20 = arith.constant 64 : index
    %get3A_21 = tpu.vector_load %arg5[%get3A_20] {strides = array<i32>} : memref<512xi32, #tpu.memory_space<vmem>>, vector<16xi32>,
    %get3A_22 = vector.shape_cast %get3A_21 : vector<16xi32> to vector<16xi32>
    %get3A_23 = arith.constant 64 : index
    %get3A_24 = tpu.vector_load %arg6[%get3A_23] {strides = array<i32>} : memref<512xf32, #tpu.memory_space<vmem>>, vector<16xf32>,
    %get3A_25 = vector.shape_cast %get3A_24 : vector<16xf32> to vector<16xf32>
    %eq3A_26 = vector.broadcast %mul3A_2 : i32 to vector<16xi32>
    %eq3A_27 = arith.cmpi eq, %get3A_22, %eq3A_26 : vector<16xi32>
    %jit3A_28 = arith.constant 0.000000e+00 : f32
    %broadcast_in_dim3A_29 = vector.broadcast %jit3A_28 : f32 to vector<16xf32>
    %select_n3A_30 = arith.select %eq3A_27, %get3A_25, %broadcast_in_dim3A_29 : vector<16xi1>, vector<16xf32>
    %add3A_31 = arith.addf %add3A_13, %select_n3A_30 : vector<16xf32>
    %eq3A_32 = vector.broadcast %add3A_4 : i32 to vector<16xi32>
    %eq3A_33 = arith.cmpi eq, %get3A_22, %eq3A_32 : vector<16xi32>
    %jit3A_34 = arith.constant 0.000000e+00 : f32
    %broadcast_in_dim3A_35 = vector.broadcast %jit3A_34 : f32 to vector<16xf32>
    %select_n3A_36 = arith.select %eq3A_33, %get3A_25, %broadcast_in_dim3A_35 : vector<16xi1>, vector<16xf32>
    %add3A_37 = arith.addf %add3A_19, %select_n3A_36 : vector<16xf32>
    %get3A_38 = arith.constant 128 : index
    %get3A_39 = tpu.vector_load %arg5[%get3A_38] {strides = array<i32>} : memref<512xi32, #tpu.memory_space<vmem>>, vector<16xi32>,
    %get3A_40 = vector.shape_cast %get3A_39 : vector<16xi32> to vector<16xi32>
    %get3A_41 = arith.constant 128 : index
    %get3A_42 = tpu.vector_load %arg6[%get3A_41] {strides = array<i32>} : memref<512xf32, #tpu.memory_space<vmem>>, vector<16xf32>,
    %get3A_43 = vector.shape_cast %get3A_42 : vector<16xf32> to vector<16xf32>
    %eq3A_44 = vector.broadcast %mul3A_2 : i32 to vector<16xi32>
    %eq3A_45 = arith.cmpi eq, %get3A_40, %eq3A_44 : vector<16xi32>
    %jit3A_46 = arith.constant 0.000000e+00 : f32
    %broadcast_in_dim3A_47 = vector.broadcast %jit3A_46 : f32 to vector<16xf32>
    %select_n3A_48 = arith.select %eq3A_45, %get3A_43, %broadcast_in_dim3A_47 : vector<16xi1>, vector<16xf32>
    %add3A_49 = arith.addf %add3A_31, %select_n3A_48 : vector<16xf32>
    %eq3A_50 = vector.broadcast %add3A_4 : i32 to vector<16xi32>
    %eq3A_51 = arith.cmpi eq, %get3A_40, %eq3A_50 : vector<16xi32>
    %jit3A_52 = arith.constant 0.000000e+00 : f32
    %broadcast_in_dim3A_53 = vector.broadcast %jit3A_52 : f32 to vector<16xf32>
    %select_n3A_54 = arith.select %eq3A_51, %get3A_43, %broadcast_in_dim3A_53 : vector<16xi1>, vector<16xf32>
    %add3A_55 = arith.addf %add3A_37, %select_n3A_54 : vector<16xf32>
    %get3A_56 = arith.constant 192 : index
    %get3A_57 = tpu.vector_load %arg5[%get3A_56] {strides = array<i32>} : memref<512xi32, #tpu.memory_space<vmem>>, vector<16xi32>,
    %get3A_58 = vector.shape_cast %get3A_57 : vector<16xi32> to vector<16xi32>
    %get3A_59 = arith.constant 192 : index
    %get3A_60 = tpu.vector_load %arg6[%get3A_59] {strides = array<i32>} : memref<512xf32, #tpu.memory_space<vmem>>, vector<16xf32>,
    %get3A_61 = vector.shape_cast %get3A_60 : vector<16xf32> to vector<16xf32>
    %eq3A_62 = vector.broadcast %mul3A_2 : i32 to vector<16xi32>
    %eq3A_63 = arith.cmpi eq, %get3A_58, %eq3A_62 : vector<16xi32>
    %jit3A_64 = arith.constant 0.000000e+00 : f32
    %broadcast_in_dim3A_65 = vector.broadcast %jit3A_64 : f32 to vector<16xf32>
    %select_n3A_66 = arith.select %eq3A_63, %get3A_61, %broadcast_in_dim3A_65 : vector<16xi1>, vector<16xf32>
    %add3A_67 = arith.addf %add3A_49, %select_n3A_66 : vector<16xf32>
    %eq3A_68 = vector.broadcast %add3A_4 : i32 to vector<16xi32>
    %eq3A_69 = arith.cmpi eq, %get3A_58, %eq3A_68 : vector<16xi32>
    %jit3A_70 = arith.constant 0.000000e+00 : f32
    %broadcast_in_dim3A_71 = vector.broadcast %jit3A_70 : f32 to vector<16xf32>
    %select_n3A_72 = arith.select %eq3A_69, %get3A_61, %broadcast_in_dim3A_71 : vector<16xi1>, vector<16xf32>
    %add3A_73 = arith.addf %add3A_55, %select_n3A_72 : vector<16xf32>
    %get3A_74 = arith.constant 256 : index
    %get3A_75 = tpu.vector_load %arg5[%get3A_74] {strides = array<i32>} : memref<512xi32, #tpu.memory_space<vmem>>, vector<16xi32>,
    %get3A_76 = vector.shape_cast %get3A_75 : vector<16xi32> to vector<16xi32>
    %get3A_77 = arith.constant 256 : index
    %get3A_78 = tpu.vector_load %arg6[%get3A_77] {strides = array<i32>} : memref<512xf32, #tpu.memory_space<vmem>>, vector<16xf32>,
    %get3A_79 = vector.shape_cast %get3A_78 : vector<16xf32> to vector<16xf32>
    %eq3A_80 = vector.broadcast %mul3A_2 : i32 to vector<16xi32>
    %eq3A_81 = arith.cmpi eq, %get3A_76, %eq3A_80 : vector<16xi32>
    %jit3A_82 = arith.constant 0.000000e+00 : f32
    %broadcast_in_dim3A_83 = vector.broadcast %jit3A_82 : f32 to vector<16xf32>
    %select_n3A_84 = arith.select %eq3A_81, %get3A_79, %broadcast_in_dim3A_83 : vector<16xi1>, vector<16xf32>
    %add3A_85 = arith.addf %add3A_67, %select_n3A_84 : vector<16xf32>
    %eq3A_86 = vector.broadcast %add3A_4 : i32 to vector<16xi32>
    %eq3A_87 = arith.cmpi eq, %get3A_76, %eq3A_86 : vector<16xi32>
    %jit3A_88 = arith.constant 0.000000e+00 : f32
    %broadcast_in_dim3A_89 = vector.broadcast %jit3A_88 : f32 to vector<16xf32>
    %select_n3A_90 = arith.select %eq3A_87, %get3A_79, %broadcast_in_dim3A_89 : vector<16xi1>, vector<16xf32>
    %add3A_91 = arith.addf %add3A_73, %select_n3A_90 : vector<16xf32>
    %get3A_92 = arith.constant 320 : index
    %get3A_93 = tpu.vector_load %arg5[%get3A_92] {strides = array<i32>} : memref<512xi32, #tpu.memory_space<vmem>>, vector<16xi32>,
    %get3A_94 = vector.shape_cast %get3A_93 : vector<16xi32> to vector<16xi32>
    %get3A_95 = arith.constant 320 : index
    %get3A_96 = tpu.vector_load %arg6[%get3A_95] {strides = array<i32>} : memref<512xf32, #tpu.memory_space<vmem>>, vector<16xf32>,
    %get3A_97 = vector.shape_cast %get3A_96 : vector<16xf32> to vector<16xf32>
    %eq3A_98 = vector.broadcast %mul3A_2 : i32 to vector<16xi32>
    %eq3A_99 = arith.cmpi eq, %get3A_94, %eq3A_98 : vector<16xi32>
    %jit3A_100 = arith.constant 0.000000e+00 : f32
    %broadcast_in_dim3A_101 = vector.broadcast %jit3A_100 : f32 to vector<16xf32>
    %select_n3A_102 = arith.select %eq3A_99, %get3A_97, %broadcast_in_dim3A_101 : vector<16xi1>, vector<16xf32>
    %add3A_103 = arith.addf %add3A_85, %select_n3A_102 : vector<16xf32>
    %eq3A_104 = vector.broadcast %add3A_4 : i32 to vector<16xi32>
    %eq3A_105 = arith.cmpi eq, %get3A_94, %eq3A_104 : vector<16xi32>
    %jit3A_106 = arith.constant 0.000000e+00 : f32
    %broadcast_in_dim3A_107 = vector.broadcast %jit3A_106 : f32 to vector<16xf32>
    %select_n3A_108 = arith.select %eq3A_105, %get3A_97, %broadcast_in_dim3A_107 : vector<16xi1>, vector<16xf32>
    %add3A_109 = arith.addf %add3A_91, %select_n3A_108 : vector<16xf32>
    %get3A_110 = arith.constant 384 : index
    %get3A_111 = tpu.vector_load %arg5[%get3A_110] {strides = array<i32>} : memref<512xi32, #tpu.memory_space<vmem>>, vector<16xi32>,
    %get3A_112 = vector.shape_cast %get3A_111 : vector<16xi32> to vector<16xi32>
    %get3A_113 = arith.constant 384 : index
    %get3A_114 = tpu.vector_load %arg6[%get3A_113] {strides = array<i32>} : memref<512xf32, #tpu.memory_space<vmem>>, vector<16xf32>,
    %get3A_115 = vector.shape_cast %get3A_114 : vector<16xf32> to vector<16xf32>
    %eq3A_116 = vector.broadcast %mul3A_2 : i32 to vector<16xi32>
    %eq3A_117 = arith.cmpi eq, %get3A_112, %eq3A_116 : vector<16xi32>
    %jit3A_118 = arith.constant 0.000000e+00 : f32
    %broadcast_in_dim3A_119 = vector.broadcast %jit3A_118 : f32 to vector<16xf32>
    %select_n3A_120 = arith.select %eq3A_117, %get3A_115, %broadcast_in_dim3A_119 : vector<16xi1>, vector<16xf32>
    %add3A_121 = arith.addf %add3A_103, %select_n3A_120 : vector<16xf32>
    %eq3A_122 = vector.broadcast %add3A_4 : i32 to vector<16xi32>
    %eq3A_123 = arith.cmpi eq, %get3A_112, %eq3A_122 : vector<16xi32>
    %jit3A_124 = arith.constant 0.000000e+00 : f32
    %broadcast_in_dim3A_125 = vector.broadcast %jit3A_124 : f32 to vector<16xf32>
    %select_n3A_126 = arith.select %eq3A_123, %get3A_115, %broadcast_in_dim3A_125 : vector<16xi1>, vector<16xf32>
    %add3A_127 = arith.addf %add3A_109, %select_n3A_126 : vector<16xf32>
    %get3A_128 = arith.constant 448 : index
    %get3A_129 = tpu.vector_load %arg5[%get3A_128] {strides = array<i32>} : memref<512xi32, #tpu.memory_space<vmem>>, vector<16xi32>,
    %get3A_130 = vector.shape_cast %get3A_129 : vector<16xi32> to vector<16xi32>
    %get3A_131 = arith.constant 448 : index
    %get3A_132 = tpu.vector_load %arg6[%get3A_131] {strides = array<i32>} : memref<512xf32, #tpu.memory_space<vmem>>, vector<16xf32>,
    %get3A_133 = vector.shape_cast %get3A_132 : vector<16xf32> to vector<16xf32>
    %eq3A_134 = vector.broadcast %mul3A_2 : i32 to vector<16xi32>
    %eq3A_135 = arith.cmpi eq, %get3A_130, %eq3A_134 : vector<16xi32>
    %jit3A_136 = arith.constant 0.000000e+00 : f32
    %broadcast_in_dim3A_137 = vector.broadcast %jit3A_136 : f32 to vector<16xf32>
    %select_n3A_138 = arith.select %eq3A_135, %get3A_133, %broadcast_in_dim3A_137 : vector<16xi1>, vector<16xf32>
    %add3A_139 = arith.addf %add3A_121, %select_n3A_138 : vector<16xf32>
    %eq3A_140 = vector.broadcast %add3A_4 : i32 to vector<16xi32>
    %eq3A_141 = arith.cmpi eq, %get3A_130, %eq3A_140 : vector<16xi32>
    %jit3A_142 = arith.constant 0.000000e+00 : f32
    %broadcast_in_dim3A_143 = vector.broadcast %jit3A_142 : f32 to vector<16xf32>
    %select_n3A_144 = arith.select %eq3A_141, %get3A_133, %broadcast_in_dim3A_143 : vector<16xi1>, vector<16xf32>
    %add3A_145 = arith.addf %add3A_127, %select_n3A_144 : vector<16xf32>
    %swap3A = arith.constant 0 : index
    %swap3A_146 = tpu.vector_load %arg7[%swap3A] {strides = array<i32>} : memref<128xf32, #tpu.memory_space<vmem>>, vector<16xf32>,
    %swap3A_147 = vector.shape_cast %swap3A_146 : vector<16xf32> to vector<16xf32>
    %swap3A_148 = vector.shape_cast %add3A_139 : vector<16xf32> to vector<16xf32>
    tpu.vector_store %arg7[%swap3A], %swap3A_148 {strides = array<i32>} : memref<128xf32, #tpu.memory_space<vmem>>, vector<16xf32>,
    %swap3A_149 = arith.constant 64 : index
    %swap3A_150 = tpu.vector_load %arg7[%swap3A_149] {strides = array<i32>} : memref<128xf32, #tpu.memory_space<vmem>>, vector<16xf32>,
    %swap3A_151 = vector.shape_cast %swap3A_150 : vector<16xf32> to vector<16xf32>
    %swap3A_152 = vector.shape_cast %add3A_145 : vector<16xf32> to vector<16xf32>
    tpu.vector_store %arg7[%swap3A_149], %swap3A_152 {strides = array<i32>} : memref<128xf32, #tpu.memory_space<vmem>>, vector<16xf32>,
    %get3A_153 = arith.constant 16 : index
    %get3A_154 = tpu.vector_load %arg5[%get3A_153] {strides = array<i32>} : memref<512xi32, #tpu.memory_space<vmem>>, vector<16xi32>,
    %get3A_155 = vector.shape_cast %get3A_154 : vector<16xi32> to vector<16xi32>
    %get3A_156 = arith.constant 16 : index
    %get3A_157 = tpu.vector_load %arg6[%get3A_156] {strides = array<i32>} : memref<512xf32, #tpu.memory_space<vmem>>, vector<16xf32>,
    %get3A_158 = vector.shape_cast %get3A_157 : vector<16xf32> to vector<16xf32>
    %eq3A_159 = vector.broadcast %mul3A_2 : i32 to vector<16xi32>
    %eq3A_160 = arith.cmpi eq, %get3A_155, %eq3A_159 : vector<16xi32>
    %jit3A_161 = arith.constant 0.000000e+00 : f32
    %broadcast_in_dim3A_162 = vector.broadcast %jit3A_161 : f32 to vector<16xf32>
    %select_n3A_163 = arith.select %eq3A_160, %get3A_158, %broadcast_in_dim3A_162 : vector<16xi1>, vector<16xf32>
    %add3A_164 = arith.addf %broadcast_in_dim3A_5, %select_n3A_163 : vector<16xf32>
    %eq3A_165 = vector.broadcast %add3A_4 : i32 to vector<16xi32>
    %eq3A_166 = arith.cmpi eq, %get3A_155, %eq3A_165 : vector<16xi32>
    %jit3A_167 = arith.constant 0.000000e+00 : f32
    %broadcast_in_dim3A_168 = vector.broadcast %jit3A_167 : f32 to vector<16xf32>
    %select_n3A_169 = arith.select %eq3A_166, %get3A_158, %broadcast_in_dim3A_168 : vector<16xi1>, vector<16xf32>
    %add3A_170 = arith.addf %broadcast_in_dim3A_5, %select_n3A_169 : vector<16xf32>
    %get3A_171 = arith.constant 80 : index
    %get3A_172 = tpu.vector_load %arg5[%get3A_171] {strides = array<i32>} : memref<512xi32, #tpu.memory_space<vmem>>, vector<16xi32>,
    %get3A_173 = vector.shape_cast %get3A_172 : vector<16xi32> to vector<16xi32>
    %get3A_174 = arith.constant 80 : index
    %get3A_175 = tpu.vector_load %arg6[%get3A_174] {strides = array<i32>} : memref<512xf32, #tpu.memory_space<vmem>>, vector<16xf32>,
    %get3A_176 = vector.shape_cast %get3A_175 : vector<16xf32> to vector<16xf32>
    %eq3A_177 = vector.broadcast %mul3A_2 : i32 to vector<16xi32>
    %eq3A_178 = arith.cmpi eq, %get3A_173, %eq3A_177 : vector<16xi32>
    %jit3A_179 = arith.constant 0.000000e+00 : f32
    %broadcast_in_dim3A_180 = vector.broadcast %jit3A_179 : f32 to vector<16xf32>
    %select_n3A_181 = arith.select %eq3A_178, %get3A_176, %broadcast_in_dim3A_180 : vector<16xi1>, vector<16xf32>
    %add3A_182 = arith.addf %add3A_164, %select_n3A_181 : vector<16xf32>
    %eq3A_183 = vector.broadcast %add3A_4 : i32 to vector<16xi32>
    %eq3A_184 = arith.cmpi eq, %get3A_173, %eq3A_183 : vector<16xi32>
    %jit3A_185 = arith.constant 0.000000e+00 : f32
    %broadcast_in_dim3A_186 = vector.broadcast %jit3A_185 : f32 to vector<16xf32>
    %select_n3A_187 = arith.select %eq3A_184, %get3A_176, %broadcast_in_dim3A_186 : vector<16xi1>, vector<16xf32>
    %add3A_188 = arith.addf %add3A_170, %select_n3A_187 : vector<16xf32>
    %get3A_189 = arith.constant 144 : index
    %get3A_190 = tpu.vector_load %arg5[%get3A_189] {strides = array<i32>} : memref<512xi32, #tpu.memory_space<vmem>>, vector<16xi32>,
    %get3A_191 = vector.shape_cast %get3A_190 : vector<16xi32> to vector<16xi32>
    %get3A_192 = arith.constant 144 : index
    %get3A_193 = tpu.vector_load %arg6[%get3A_192] {strides = array<i32>} : memref<512xf32, #tpu.memory_space<vmem>>, vector<16xf32>,
    %get3A_194 = vector.shape_cast %get3A_193 : vector<16xf32> to vector<16xf32>
    %eq3A_195 = vector.broadcast %mul3A_2 : i32 to vector<16xi32>
    %eq3A_196 = arith.cmpi eq, %get3A_191, %eq3A_195 : vector<16xi32>
    %jit3A_197 = arith.constant 0.000000e+00 : f32
    %broadcast_in_dim3A_198 = vector.broadcast %jit3A_197 : f32 to vector<16xf32>
    %select_n3A_199 = arith.select %eq3A_196, %get3A_194, %broadcast_in_dim3A_198 : vector<16xi1>, vector<16xf32>
    %add3A_200 = arith.addf %add3A_182, %select_n3A_199 : vector<16xf32>
    %eq3A_201 = vector.broadcast %add3A_4 : i32 to vector<16xi32>
    %eq3A_202 = arith.cmpi eq, %get3A_191, %eq3A_201 : vector<16xi32>
    %jit3A_203 = arith.constant 0.000000e+00 : f32
    %broadcast_in_dim3A_204 = vector.broadcast %jit3A_203 : f32 to vector<16xf32>
    %select_n3A_205 = arith.select %eq3A_202, %get3A_194, %broadcast_in_dim3A_204 : vector<16xi1>, vector<16xf32>
    %add3A_206 = arith.addf %add3A_188, %select_n3A_205 : vector<16xf32>
    %get3A_207 = arith.constant 208 : index
    %get3A_208 = tpu.vector_load %arg5[%get3A_207] {strides = array<i32>} : memref<512xi32, #tpu.memory_space<vmem>>, vector<16xi32>,
    %get3A_209 = vector.shape_cast %get3A_208 : vector<16xi32> to vector<16xi32>
    %get3A_210 = arith.constant 208 : index
    %get3A_211 = tpu.vector_load %arg6[%get3A_210] {strides = array<i32>} : memref<512xf32, #tpu.memory_space<vmem>>, vector<16xf32>,
    %get3A_212 = vector.shape_cast %get3A_211 : vector<16xf32> to vector<16xf32>
    %eq3A_213 = vector.broadcast %mul3A_2 : i32 to vector<16xi32>
    %eq3A_214 = arith.cmpi eq, %get3A_209, %eq3A_213 : vector<16xi32>
    %jit3A_215 = arith.constant 0.000000e+00 : f32
    %broadcast_in_dim3A_216 = vector.broadcast %jit3A_215 : f32 to vector<16xf32>
    %select_n3A_217 = arith.select %eq3A_214, %get3A_212, %broadcast_in_dim3A_216 : vector<16xi1>, vector<16xf32>
    %add3A_218 = arith.addf %add3A_200, %select_n3A_217 : vector<16xf32>
    %eq3A_219 = vector.broadcast %add3A_4 : i32 to vector<16xi32>
    %eq3A_220 = arith.cmpi eq, %get3A_209, %eq3A_219 : vector<16xi32>
    %jit3A_221 = arith.constant 0.000000e+00 : f32
    %broadcast_in_dim3A_222 = vector.broadcast %jit3A_221 : f32 to vector<16xf32>
    %select_n3A_223 = arith.select %eq3A_220, %get3A_212, %broadcast_in_dim3A_222 : vector<16xi1>, vector<16xf32>
    %add3A_224 = arith.addf %add3A_206, %select_n3A_223 : vector<16xf32>
    %get3A_225 = arith.constant 272 : index
    %get3A_226 = tpu.vector_load %arg5[%get3A_225] {strides = array<i32>} : memref<512xi32, #tpu.memory_space<vmem>>, vector<16xi32>,
    %get3A_227 = vector.shape_cast %get3A_226 : vector<16xi32> to vector<16xi32>
    %get3A_228 = arith.constant 272 : index
    %get3A_229 = tpu.vector_load %arg6[%get3A_228] {strides = array<i32>} : memref<512xf32, #tpu.memory_space<vmem>>, vector<16xf32>,
    %get3A_230 = vector.shape_cast %get3A_229 : vector<16xf32> to vector<16xf32>
    %eq3A_231 = vector.broadcast %mul3A_2 : i32 to vector<16xi32>
    %eq3A_232 = arith.cmpi eq, %get3A_227, %eq3A_231 : vector<16xi32>
    %jit3A_233 = arith.constant 0.000000e+00 : f32
    %broadcast_in_dim3A_234 = vector.broadcast %jit3A_233 : f32 to vector<16xf32>
    %select_n3A_235 = arith.select %eq3A_232, %get3A_230, %broadcast_in_dim3A_234 : vector<16xi1>, vector<16xf32>
    %add3A_236 = arith.addf %add3A_218, %select_n3A_235 : vector<16xf32>
    %eq3A_237 = vector.broadcast %add3A_4 : i32 to vector<16xi32>
    %eq3A_238 = arith.cmpi eq, %get3A_227, %eq3A_237 : vector<16xi32>
    %jit3A_239 = arith.constant 0.000000e+00 : f32
    %broadcast_in_dim3A_240 = vector.broadcast %jit3A_239 : f32 to vector<16xf32>
    %select_n3A_241 = arith.select %eq3A_238, %get3A_230, %broadcast_in_dim3A_240 : vector<16xi1>, vector<16xf32>
    %add3A_242 = arith.addf %add3A_224, %select_n3A_241 : vector<16xf32>
    %get3A_243 = arith.constant 336 : index
    %get3A_244 = tpu.vector_load %arg5[%get3A_243] {strides = array<i32>} : memref<512xi32, #tpu.memory_space<vmem>>, vector<16xi32>,
    %get3A_245 = vector.shape_cast %get3A_244 : vector<16xi32> to vector<16xi32>
    %get3A_246 = arith.constant 336 : index
    %get3A_247 = tpu.vector_load %arg6[%get3A_246] {strides = array<i32>} : memref<512xf32, #tpu.memory_space<vmem>>, vector<16xf32>,
    %get3A_248 = vector.shape_cast %get3A_247 : vector<16xf32> to vector<16xf32>
    %eq3A_249 = vector.broadcast %mul3A_2 : i32 to vector<16xi32>
    %eq3A_250 = arith.cmpi eq, %get3A_245, %eq3A_249 : vector<16xi32>
    %jit3A_251 = arith.constant 0.000000e+00 : f32
    %broadcast_in_dim3A_252 = vector.broadcast %jit3A_251 : f32 to vector<16xf32>
    %select_n3A_253 = arith.select %eq3A_250, %get3A_248, %broadcast_in_dim3A_252 : vector<16xi1>, vector<16xf32>
    %add3A_254 = arith.addf %add3A_236, %select_n3A_253 : vector<16xf32>
    %eq3A_255 = vector.broadcast %add3A_4 : i32 to vector<16xi32>
    %eq3A_256 = arith.cmpi eq, %get3A_245, %eq3A_255 : vector<16xi32>
    %jit3A_257 = arith.constant 0.000000e+00 : f32
    %broadcast_in_dim3A_258 = vector.broadcast %jit3A_257 : f32 to vector<16xf32>
    %select_n3A_259 = arith.select %eq3A_256, %get3A_248, %broadcast_in_dim3A_258 : vector<16xi1>, vector<16xf32>
    %add3A_260 = arith.addf %add3A_242, %select_n3A_259 : vector<16xf32>
    %get3A_261 = arith.constant 400 : index
    %get3A_262 = tpu.vector_load %arg5[%get3A_261] {strides = array<i32>} : memref<512xi32, #tpu.memory_space<vmem>>, vector<16xi32>,
    %get3A_263 = vector.shape_cast %get3A_262 : vector<16xi32> to vector<16xi32>
    %get3A_264 = arith.constant 400 : index
    %get3A_265 = tpu.vector_load %arg6[%get3A_264] {strides = array<i32>} : memref<512xf32, #tpu.memory_space<vmem>>, vector<16xf32>,
    %get3A_266 = vector.shape_cast %get3A_265 : vector<16xf32> to vector<16xf32>
    %eq3A_267 = vector.broadcast %mul3A_2 : i32 to vector<16xi32>
    %eq3A_268 = arith.cmpi eq, %get3A_263, %eq3A_267 : vector<16xi32>
    %jit3A_269 = arith.constant 0.000000e+00 : f32
    %broadcast_in_dim3A_270 = vector.broadcast %jit3A_269 : f32 to vector<16xf32>
    %select_n3A_271 = arith.select %eq3A_268, %get3A_266, %broadcast_in_dim3A_270 : vector<16xi1>, vector<16xf32>
    %add3A_272 = arith.addf %add3A_254, %select_n3A_271 : vector<16xf32>
    %eq3A_273 = vector.broadcast %add3A_4 : i32 to vector<16xi32>
    %eq3A_274 = arith.cmpi eq, %get3A_263, %eq3A_273 : vector<16xi32>
    %jit3A_275 = arith.constant 0.000000e+00 : f32
    %broadcast_in_dim3A_276 = vector.broadcast %jit3A_275 : f32 to vector<16xf32>
    %select_n3A_277 = arith.select %eq3A_274, %get3A_266, %broadcast_in_dim3A_276 : vector<16xi1>, vector<16xf32>
    %add3A_278 = arith.addf %add3A_260, %select_n3A_277 : vector<16xf32>
    %get3A_279 = arith.constant 464 : index
    %get3A_280 = tpu.vector_load %arg5[%get3A_279] {strides = array<i32>} : memref<512xi32, #tpu.memory_space<vmem>>, vector<16xi32>,
    %get3A_281 = vector.shape_cast %get3A_280 : vector<16xi32> to vector<16xi32>
    %get3A_282 = arith.constant 464 : index
    %get3A_283 = tpu.vector_load %arg6[%get3A_282] {strides = array<i32>} : memref<512xf32, #tpu.memory_space<vmem>>, vector<16xf32>,
    %get3A_284 = vector.shape_cast %get3A_283 : vector<16xf32> to vector<16xf32>
    %eq3A_285 = vector.broadcast %mul3A_2 : i32 to vector<16xi32>
    %eq3A_286 = arith.cmpi eq, %get3A_281, %eq3A_285 : vector<16xi32>
    %jit3A_287 = arith.constant 0.000000e+00 : f32
    %broadcast_in_dim3A_288 = vector.broadcast %jit3A_287 : f32 to vector<16xf32>
    %select_n3A_289 = arith.select %eq3A_286, %get3A_284, %broadcast_in_dim3A_288 : vector<16xi1>, vector<16xf32>
    %add3A_290 = arith.addf %add3A_272, %select_n3A_289 : vector<16xf32>
    %eq3A_291 = vector.broadcast %add3A_4 : i32 to vector<16xi32>
    %eq3A_292 = arith.cmpi eq, %get3A_281, %eq3A_291 : vector<16xi32>
    %jit3A_293 = arith.constant 0.000000e+00 : f32
    %broadcast_in_dim3A_294 = vector.broadcast %jit3A_293 : f32 to vector<16xf32>
    %select_n3A_295 = arith.select %eq3A_292, %get3A_284, %broadcast_in_dim3A_294 : vector<16xi1>, vector<16xf32>
    %add3A_296 = arith.addf %add3A_278, %select_n3A_295 : vector<16xf32>
    %swap3A_297 = arith.constant 16 : index
    %swap3A_298 = tpu.vector_load %arg7[%swap3A_297] {strides = array<i32>} : memref<128xf32, #tpu.memory_space<vmem>>, vector<16xf32>,
    %swap3A_299 = vector.shape_cast %swap3A_298 : vector<16xf32> to vector<16xf32>
    %swap3A_300 = vector.shape_cast %add3A_290 : vector<16xf32> to vector<16xf32>
    tpu.vector_store %arg7[%swap3A_297], %swap3A_300 {strides = array<i32>} : memref<128xf32, #tpu.memory_space<vmem>>, vector<16xf32>,
    %swap3A_301 = arith.constant 80 : index
    %swap3A_302 = tpu.vector_load %arg7[%swap3A_301] {strides = array<i32>} : memref<128xf32, #tpu.memory_space<vmem>>, vector<16xf32>,
    %swap3A_303 = vector.shape_cast %swap3A_302 : vector<16xf32> to vector<16xf32>
    %swap3A_304 = vector.shape_cast %add3A_296 : vector<16xf32> to vector<16xf32>
    tpu.vector_store %arg7[%swap3A_301], %swap3A_304 {strides = array<i32>} : memref<128xf32, #tpu.memory_space<vmem>>, vector<16xf32>,
    %get3A_305 = arith.constant 32 : index
    %get3A_306 = tpu.vector_load %arg5[%get3A_305] {strides = array<i32>} : memref<512xi32, #tpu.memory_space<vmem>>, vector<16xi32>,
    %get3A_307 = vector.shape_cast %get3A_306 : vector<16xi32> to vector<16xi32>
    %get3A_308 = arith.constant 32 : index
    %get3A_309 = tpu.vector_load %arg6[%get3A_308] {strides = array<i32>} : memref<512xf32, #tpu.memory_space<vmem>>, vector<16xf32>,
    %get3A_310 = vector.shape_cast %get3A_309 : vector<16xf32> to vector<16xf32>
    %eq3A_311 = vector.broadcast %mul3A_2 : i32 to vector<16xi32>
    %eq3A_312 = arith.cmpi eq, %get3A_307, %eq3A_311 : vector<16xi32>
    %jit3A_313 = arith.constant 0.000000e+00 : f32
    %broadcast_in_dim3A_314 = vector.broadcast %jit3A_313 : f32 to vector<16xf32>
    %select_n3A_315 = arith.select %eq3A_312, %get3A_310, %broadcast_in_dim3A_314 : vector<16xi1>, vector<16xf32>
    %add3A_316 = arith.addf %broadcast_in_dim3A_5, %select_n3A_315 : vector<16xf32>
    %eq3A_317 = vector.broadcast %add3A_4 : i32 to vector<16xi32>
    %eq3A_318 = arith.cmpi eq, %get3A_307, %eq3A_317 : vector<16xi32>
    %jit3A_319 = arith.constant 0.000000e+00 : f32
    %broadcast_in_dim3A_320 = vector.broadcast %jit3A_319 : f32 to vector<16xf32>
    %select_n3A_321 = arith.select %eq3A_318, %get3A_310, %broadcast_in_dim3A_320 : vector<16xi1>, vector<16xf32>
    %add3A_322 = arith.addf %broadcast_in_dim3A_5, %select_n3A_321 : vector<16xf32>
    %get3A_323 = arith.constant 96 : index
    %get3A_324 = tpu.vector_load %arg5[%get3A_323] {strides = array<i32>} : memref<512xi32, #tpu.memory_space<vmem>>, vector<16xi32>,
    %get3A_325 = vector.shape_cast %get3A_324 : vector<16xi32> to vector<16xi32>
    %get3A_326 = arith.constant 96 : index
    %get3A_327 = tpu.vector_load %arg6[%get3A_326] {strides = array<i32>} : memref<512xf32, #tpu.memory_space<vmem>>, vector<16xf32>,
    %get3A_328 = vector.shape_cast %get3A_327 : vector<16xf32> to vector<16xf32>
    %eq3A_329 = vector.broadcast %mul3A_2 : i32 to vector<16xi32>
    %eq3A_330 = arith.cmpi eq, %get3A_325, %eq3A_329 : vector<16xi32>
    %jit3A_331 = arith.constant 0.000000e+00 : f32
    %broadcast_in_dim3A_332 = vector.broadcast %jit3A_331 : f32 to vector<16xf32>
    %select_n3A_333 = arith.select %eq3A_330, %get3A_328, %broadcast_in_dim3A_332 : vector<16xi1>, vector<16xf32>
    %add3A_334 = arith.addf %add3A_316, %select_n3A_333 : vector<16xf32>
    %eq3A_335 = vector.broadcast %add3A_4 : i32 to vector<16xi32>
    %eq3A_336 = arith.cmpi eq, %get3A_325, %eq3A_335 : vector<16xi32>
    %jit3A_337 = arith.constant 0.000000e+00 : f32
    %broadcast_in_dim3A_338 = vector.broadcast %jit3A_337 : f32 to vector<16xf32>
    %select_n3A_339 = arith.select %eq3A_336, %get3A_328, %broadcast_in_dim3A_338 : vector<16xi1>, vector<16xf32>
    %add3A_340 = arith.addf %add3A_322, %select_n3A_339 : vector<16xf32>
    %get3A_341 = arith.constant 160 : index
    %get3A_342 = tpu.vector_load %arg5[%get3A_341] {strides = array<i32>} : memref<512xi32, #tpu.memory_space<vmem>>, vector<16xi32>,
    %get3A_343 = vector.shape_cast %get3A_342 : vector<16xi32> to vector<16xi32>
    %get3A_344 = arith.constant 160 : index
    %get3A_345 = tpu.vector_load %arg6[%get3A_344] {strides = array<i32>} : memref<512xf32, #tpu.memory_space<vmem>>, vector<16xf32>,
    %get3A_346 = vector.shape_cast %get3A_345 : vector<16xf32> to vector<16xf32>
    %eq3A_347 = vector.broadcast %mul3A_2 : i32 to vector<16xi32>
    %eq3A_348 = arith.cmpi eq, %get3A_343, %eq3A_347 : vector<16xi32>
    %jit3A_349 = arith.constant 0.000000e+00 : f32
    %broadcast_in_dim3A_350 = vector.broadcast %jit3A_349 : f32 to vector<16xf32>
    %select_n3A_351 = arith.select %eq3A_348, %get3A_346, %broadcast_in_dim3A_350 : vector<16xi1>, vector<16xf32>
    %add3A_352 = arith.addf %add3A_334, %select_n3A_351 : vector<16xf32>
    %eq3A_353 = vector.broadcast %add3A_4 : i32 to vector<16xi32>
    %eq3A_354 = arith.cmpi eq, %get3A_343, %eq3A_353 : vector<16xi32>
    %jit3A_355 = arith.constant 0.000000e+00 : f32
    %broadcast_in_dim3A_356 = vector.broadcast %jit3A_355 : f32 to vector<16xf32>
    %select_n3A_357 = arith.select %eq3A_354, %get3A_346, %broadcast_in_dim3A_356 : vector<16xi1>, vector<16xf32>
    %add3A_358 = arith.addf %add3A_340, %select_n3A_357 : vector<16xf32>
    %get3A_359 = arith.constant 224 : index
    %get3A_360 = tpu.vector_load %arg5[%get3A_359] {strides = array<i32>} : memref<512xi32, #tpu.memory_space<vmem>>, vector<16xi32>,
    %get3A_361 = vector.shape_cast %get3A_360 : vector<16xi32> to vector<16xi32>
    %get3A_362 = arith.constant 224 : index
    %get3A_363 = tpu.vector_load %arg6[%get3A_362] {strides = array<i32>} : memref<512xf32, #tpu.memory_space<vmem>>, vector<16xf32>,
    %get3A_364 = vector.shape_cast %get3A_363 : vector<16xf32> to vector<16xf32>
    %eq3A_365 = vector.broadcast %mul3A_2 : i32 to vector<16xi32>
    %eq3A_366 = arith.cmpi eq, %get3A_361, %eq3A_365 : vector<16xi32>
    %jit3A_367 = arith.constant 0.000000e+00 : f32
    %broadcast_in_dim3A_368 = vector.broadcast %jit3A_367 : f32 to vector<16xf32>
    %select_n3A_369 = arith.select %eq3A_366, %get3A_364, %broadcast_in_dim3A_368 : vector<16xi1>, vector<16xf32>
    %add3A_370 = arith.addf %add3A_352, %select_n3A_369 : vector<16xf32>
    %eq3A_371 = vector.broadcast %add3A_4 : i32 to vector<16xi32>
    %eq3A_372 = arith.cmpi eq, %get3A_361, %eq3A_371 : vector<16xi32>
    %jit3A_373 = arith.constant 0.000000e+00 : f32
    %broadcast_in_dim3A_374 = vector.broadcast %jit3A_373 : f32 to vector<16xf32>
    %select_n3A_375 = arith.select %eq3A_372, %get3A_364, %broadcast_in_dim3A_374 : vector<16xi1>, vector<16xf32>
    %add3A_376 = arith.addf %add3A_358, %select_n3A_375 : vector<16xf32>
    %get3A_377 = arith.constant 288 : index
    %get3A_378 = tpu.vector_load %arg5[%get3A_377] {strides = array<i32>} : memref<512xi32, #tpu.memory_space<vmem>>, vector<16xi32>,
    %get3A_379 = vector.shape_cast %get3A_378 : vector<16xi32> to vector<16xi32>
    %get3A_380 = arith.constant 288 : index
    %get3A_381 = tpu.vector_load %arg6[%get3A_380] {strides = array<i32>} : memref<512xf32, #tpu.memory_space<vmem>>, vector<16xf32>,
    %get3A_382 = vector.shape_cast %get3A_381 : vector<16xf32> to vector<16xf32>
    %eq3A_383 = vector.broadcast %mul3A_2 : i32 to vector<16xi32>
    %eq3A_384 = arith.cmpi eq, %get3A_379, %eq3A_383 : vector<16xi32>
    %jit3A_385 = arith.constant 0.000000e+00 : f32
    %broadcast_in_dim3A_386 = vector.broadcast %jit3A_385 : f32 to vector<16xf32>
    %select_n3A_387 = arith.select %eq3A_384, %get3A_382, %broadcast_in_dim3A_386 : vector<16xi1>, vector<16xf32>
    %add3A_388 = arith.addf %add3A_370, %select_n3A_387 : vector<16xf32>
    %eq3A_389 = vector.broadcast %add3A_4 : i32 to vector<16xi32>
    %eq3A_390 = arith.cmpi eq, %get3A_379, %eq3A_389 : vector<16xi32>
    %jit3A_391 = arith.constant 0.000000e+00 : f32
    %broadcast_in_dim3A_392 = vector.broadcast %jit3A_391 : f32 to vector<16xf32>
    %select_n3A_393 = arith.select %eq3A_390, %get3A_382, %broadcast_in_dim3A_392 : vector<16xi1>, vector<16xf32>
    %add3A_394 = arith.addf %add3A_376, %select_n3A_393 : vector<16xf32>
    %get3A_395 = arith.constant 352 : index
    %get3A_396 = tpu.vector_load %arg5[%get3A_395] {strides = array<i32>} : memref<512xi32, #tpu.memory_space<vmem>>, vector<16xi32>,
    %get3A_397 = vector.shape_cast %get3A_396 : vector<16xi32> to vector<16xi32>
    %get3A_398 = arith.constant 352 : index
    %get3A_399 = tpu.vector_load %arg6[%get3A_398] {strides = array<i32>} : memref<512xf32, #tpu.memory_space<vmem>>, vector<16xf32>,
    %get3A_400 = vector.shape_cast %get3A_399 : vector<16xf32> to vector<16xf32>
    %eq3A_401 = vector.broadcast %mul3A_2 : i32 to vector<16xi32>
    %eq3A_402 = arith.cmpi eq, %get3A_397, %eq3A_401 : vector<16xi32>
    %jit3A_403 = arith.constant 0.000000e+00 : f32
    %broadcast_in_dim3A_404 = vector.broadcast %jit3A_403 : f32 to vector<16xf32>
    %select_n3A_405 = arith.select %eq3A_402, %get3A_400, %broadcast_in_dim3A_404 : vector<16xi1>, vector<16xf32>
    %add3A_406 = arith.addf %add3A_388, %select_n3A_405 : vector<16xf32>
    %eq3A_407 = vector.broadcast %add3A_4 : i32 to vector<16xi32>
    %eq3A_408 = arith.cmpi eq, %get3A_397, %eq3A_407 : vector<16xi32>
    %jit3A_409 = arith.constant 0.000000e+00 : f32
    %broadcast_in_dim3A_410 = vector.broadcast %jit3A_409 : f32 to vector<16xf32>
    %select_n3A_411 = arith.select %eq3A_408, %get3A_400, %broadcast_in_dim3A_410 : vector<16xi1>, vector<16xf32>
    %add3A_412 = arith.addf %add3A_394, %select_n3A_411 : vector<16xf32>
    %get3A_413 = arith.constant 416 : index
    %get3A_414 = tpu.vector_load %arg5[%get3A_413] {strides = array<i32>} : memref<512xi32, #tpu.memory_space<vmem>>, vector<16xi32>,
    %get3A_415 = vector.shape_cast %get3A_414 : vector<16xi32> to vector<16xi32>
    %get3A_416 = arith.constant 416 : index
    %get3A_417 = tpu.vector_load %arg6[%get3A_416] {strides = array<i32>} : memref<512xf32, #tpu.memory_space<vmem>>, vector<16xf32>,
    %get3A_418 = vector.shape_cast %get3A_417 : vector<16xf32> to vector<16xf32>
    %eq3A_419 = vector.broadcast %mul3A_2 : i32 to vector<16xi32>
    %eq3A_420 = arith.cmpi eq, %get3A_415, %eq3A_419 : vector<16xi32>
    %jit3A_421 = arith.constant 0.000000e+00 : f32
    %broadcast_in_dim3A_422 = vector.broadcast %jit3A_421 : f32 to vector<16xf32>
    %select_n3A_423 = arith.select %eq3A_420, %get3A_418, %broadcast_in_dim3A_422 : vector<16xi1>, vector<16xf32>
    %add3A_424 = arith.addf %add3A_406, %select_n3A_423 : vector<16xf32>
    %eq3A_425 = vector.broadcast %add3A_4 : i32 to vector<16xi32>
    %eq3A_426 = arith.cmpi eq, %get3A_415, %eq3A_425 : vector<16xi32>
    %jit3A_427 = arith.constant 0.000000e+00 : f32
    %broadcast_in_dim3A_428 = vector.broadcast %jit3A_427 : f32 to vector<16xf32>
    %select_n3A_429 = arith.select %eq3A_426, %get3A_418, %broadcast_in_dim3A_428 : vector<16xi1>, vector<16xf32>
    %add3A_430 = arith.addf %add3A_412, %select_n3A_429 : vector<16xf32>
    %get3A_431 = arith.constant 480 : index
    %get3A_432 = tpu.vector_load %arg5[%get3A_431] {strides = array<i32>} : memref<512xi32, #tpu.memory_space<vmem>>, vector<16xi32>,
    %get3A_433 = vector.shape_cast %get3A_432 : vector<16xi32> to vector<16xi32>
    %get3A_434 = arith.constant 480 : index
    %get3A_435 = tpu.vector_load %arg6[%get3A_434] {strides = array<i32>} : memref<512xf32, #tpu.memory_space<vmem>>, vector<16xf32>,
    %get3A_436 = vector.shape_cast %get3A_435 : vector<16xf32> to vector<16xf32>
    %eq3A_437 = vector.broadcast %mul3A_2 : i32 to vector<16xi32>
    %eq3A_438 = arith.cmpi eq, %get3A_433, %eq3A_437 : vector<16xi32>
    %jit3A_439 = arith.constant 0.000000e+00 : f32
    %broadcast_in_dim3A_440 = vector.broadcast %jit3A_439 : f32 to vector<16xf32>
    %select_n3A_441 = arith.select %eq3A_438, %get3A_436, %broadcast_in_dim3A_440 : vector<16xi1>, vector<16xf32>
    %add3A_442 = arith.addf %add3A_424, %select_n3A_441 : vector<16xf32>
    %eq3A_443 = vector.broadcast %add3A_4 : i32 to vector<16xi32>
    %eq3A_444 = arith.cmpi eq, %get3A_433, %eq3A_443 : vector<16xi32>
    %jit3A_445 = arith.constant 0.000000e+00 : f32
    %broadcast_in_dim3A_446 = vector.broadcast %jit3A_445 : f32 to vector<16xf32>
    %select_n3A_447 = arith.select %eq3A_444, %get3A_436, %broadcast_in_dim3A_446 : vector<16xi1>, vector<16xf32>
    %add3A_448 = arith.addf %add3A_430, %select_n3A_447 : vector<16xf32>
    %swap3A_449 = arith.constant 32 : index
    %swap3A_450 = tpu.vector_load %arg7[%swap3A_449] {strides = array<i32>} : memref<128xf32, #tpu.memory_space<vmem>>, vector<16xf32>,
    %swap3A_451 = vector.shape_cast %swap3A_450 : vector<16xf32> to vector<16xf32>
    %swap3A_452 = vector.shape_cast %add3A_442 : vector<16xf32> to vector<16xf32>
    tpu.vector_store %arg7[%swap3A_449], %swap3A_452 {strides = array<i32>} : memref<128xf32, #tpu.memory_space<vmem>>, vector<16xf32>,
    %swap3A_453 = arith.constant 96 : index
    %swap3A_454 = tpu.vector_load %arg7[%swap3A_453] {strides = array<i32>} : memref<128xf32, #tpu.memory_space<vmem>>, vector<16xf32>,
    %swap3A_455 = vector.shape_cast %swap3A_454 : vector<16xf32> to vector<16xf32>
    %swap3A_456 = vector.shape_cast %add3A_448 : vector<16xf32> to vector<16xf32>
    tpu.vector_store %arg7[%swap3A_453], %swap3A_456 {strides = array<i32>} : memref<128xf32, #tpu.memory_space<vmem>>, vector<16xf32>,
    %get3A_457 = arith.constant 48 : index
    %get3A_458 = tpu.vector_load %arg5[%get3A_457] {strides = array<i32>} : memref<512xi32, #tpu.memory_space<vmem>>, vector<16xi32>,
    %get3A_459 = vector.shape_cast %get3A_458 : vector<16xi32> to vector<16xi32>
    %get3A_460 = arith.constant 48 : index
    %get3A_461 = tpu.vector_load %arg6[%get3A_460] {strides = array<i32>} : memref<512xf32, #tpu.memory_space<vmem>>, vector<16xf32>,
    %get3A_462 = vector.shape_cast %get3A_461 : vector<16xf32> to vector<16xf32>
    %eq3A_463 = vector.broadcast %mul3A_2 : i32 to vector<16xi32>
    %eq3A_464 = arith.cmpi eq, %get3A_459, %eq3A_463 : vector<16xi32>
    %jit3A_465 = arith.constant 0.000000e+00 : f32
    %broadcast_in_dim3A_466 = vector.broadcast %jit3A_465 : f32 to vector<16xf32>
    %select_n3A_467 = arith.select %eq3A_464, %get3A_462, %broadcast_in_dim3A_466 : vector<16xi1>, vector<16xf32>
    %add3A_468 = arith.addf %broadcast_in_dim3A_5, %select_n3A_467 : vector<16xf32>
    %eq3A_469 = vector.broadcast %add3A_4 : i32 to vector<16xi32>
    %eq3A_470 = arith.cmpi eq, %get3A_459, %eq3A_469 : vector<16xi32>
    %jit3A_471 = arith.constant 0.000000e+00 : f32
    %broadcast_in_dim3A_472 = vector.broadcast %jit3A_471 : f32 to vector<16xf32>
    %select_n3A_473 = arith.select %eq3A_470, %get3A_462, %broadcast_in_dim3A_472 : vector<16xi1>, vector<16xf32>
    %add3A_474 = arith.addf %broadcast_in_dim3A_5, %select_n3A_473 : vector<16xf32>
    %get3A_475 = arith.constant 112 : index
    %get3A_476 = tpu.vector_load %arg5[%get3A_475] {strides = array<i32>} : memref<512xi32, #tpu.memory_space<vmem>>, vector<16xi32>,
    %get3A_477 = vector.shape_cast %get3A_476 : vector<16xi32> to vector<16xi32>
    %get3A_478 = arith.constant 112 : index
    %get3A_479 = tpu.vector_load %arg6[%get3A_478] {strides = array<i32>} : memref<512xf32, #tpu.memory_space<vmem>>, vector<16xf32>,
    %get3A_480 = vector.shape_cast %get3A_479 : vector<16xf32> to vector<16xf32>
    %eq3A_481 = vector.broadcast %mul3A_2 : i32 to vector<16xi32>
    %eq3A_482 = arith.cmpi eq, %get3A_477, %eq3A_481 : vector<16xi32>
    %jit3A_483 = arith.constant 0.000000e+00 : f32
    %broadcast_in_dim3A_484 = vector.broadcast %jit3A_483 : f32 to vector<16xf32>
    %select_n3A_485 = arith.select %eq3A_482, %get3A_480, %broadcast_in_dim3A_484 : vector<16xi1>, vector<16xf32>
    %add3A_486 = arith.addf %add3A_468, %select_n3A_485 : vector<16xf32>
    %eq3A_487 = vector.broadcast %add3A_4 : i32 to vector<16xi32>
    %eq3A_488 = arith.cmpi eq, %get3A_477, %eq3A_487 : vector<16xi32>
    %jit3A_489 = arith.constant 0.000000e+00 : f32
    %broadcast_in_dim3A_490 = vector.broadcast %jit3A_489 : f32 to vector<16xf32>
    %select_n3A_491 = arith.select %eq3A_488, %get3A_480, %broadcast_in_dim3A_490 : vector<16xi1>, vector<16xf32>
    %add3A_492 = arith.addf %add3A_474, %select_n3A_491 : vector<16xf32>
    %get3A_493 = arith.constant 176 : index
    %get3A_494 = tpu.vector_load %arg5[%get3A_493] {strides = array<i32>} : memref<512xi32, #tpu.memory_space<vmem>>, vector<16xi32>,
    %get3A_495 = vector.shape_cast %get3A_494 : vector<16xi32> to vector<16xi32>
    %get3A_496 = arith.constant 176 : index
    %get3A_497 = tpu.vector_load %arg6[%get3A_496] {strides = array<i32>} : memref<512xf32, #tpu.memory_space<vmem>>, vector<16xf32>,
    %get3A_498 = vector.shape_cast %get3A_497 : vector<16xf32> to vector<16xf32>
    %eq3A_499 = vector.broadcast %mul3A_2 : i32 to vector<16xi32>
    %eq3A_500 = arith.cmpi eq, %get3A_495, %eq3A_499 : vector<16xi32>
    %jit3A_501 = arith.constant 0.000000e+00 : f32
    %broadcast_in_dim3A_502 = vector.broadcast %jit3A_501 : f32 to vector<16xf32>
    %select_n3A_503 = arith.select %eq3A_500, %get3A_498, %broadcast_in_dim3A_502 : vector<16xi1>, vector<16xf32>
    %add3A_504 = arith.addf %add3A_486, %select_n3A_503 : vector<16xf32>
    %eq3A_505 = vector.broadcast %add3A_4 : i32 to vector<16xi32>
    %eq3A_506 = arith.cmpi eq, %get3A_495, %eq3A_505 : vector<16xi32>
    %jit3A_507 = arith.constant 0.000000e+00 : f32
    %broadcast_in_dim3A_508 = vector.broadcast %jit3A_507 : f32 to vector<16xf32>
    %select_n3A_509 = arith.select %eq3A_506, %get3A_498, %broadcast_in_dim3A_508 : vector<16xi1>, vector<16xf32>
    %add3A_510 = arith.addf %add3A_492, %select_n3A_509 : vector<16xf32>
    %get3A_511 = arith.constant 240 : index
    %get3A_512 = tpu.vector_load %arg5[%get3A_511] {strides = array<i32>} : memref<512xi32, #tpu.memory_space<vmem>>, vector<16xi32>,
    %get3A_513 = vector.shape_cast %get3A_512 : vector<16xi32> to vector<16xi32>
    %get3A_514 = arith.constant 240 : index
    %get3A_515 = tpu.vector_load %arg6[%get3A_514] {strides = array<i32>} : memref<512xf32, #tpu.memory_space<vmem>>, vector<16xf32>,
    %get3A_516 = vector.shape_cast %get3A_515 : vector<16xf32> to vector<16xf32>
    %eq3A_517 = vector.broadcast %mul3A_2 : i32 to vector<16xi32>
    %eq3A_518 = arith.cmpi eq, %get3A_513, %eq3A_517 : vector<16xi32>
    %jit3A_519 = arith.constant 0.000000e+00 : f32
    %broadcast_in_dim3A_520 = vector.broadcast %jit3A_519 : f32 to vector<16xf32>
    %select_n3A_521 = arith.select %eq3A_518, %get3A_516, %broadcast_in_dim3A_520 : vector<16xi1>, vector<16xf32>
    %add3A_522 = arith.addf %add3A_504, %select_n3A_521 : vector<16xf32>
    %eq3A_523 = vector.broadcast %add3A_4 : i32 to vector<16xi32>
    %eq3A_524 = arith.cmpi eq, %get3A_513, %eq3A_523 : vector<16xi32>
    %jit3A_525 = arith.constant 0.000000e+00 : f32
    %broadcast_in_dim3A_526 = vector.broadcast %jit3A_525 : f32 to vector<16xf32>
    %select_n3A_527 = arith.select %eq3A_524, %get3A_516, %broadcast_in_dim3A_526 : vector<16xi1>, vector<16xf32>
    %add3A_528 = arith.addf %add3A_510, %select_n3A_527 : vector<16xf32>
    %get3A_529 = arith.constant 304 : index
    %get3A_530 = tpu.vector_load %arg5[%get3A_529] {strides = array<i32>} : memref<512xi32, #tpu.memory_space<vmem>>, vector<16xi32>,
    %get3A_531 = vector.shape_cast %get3A_530 : vector<16xi32> to vector<16xi32>
    %get3A_532 = arith.constant 304 : index
    %get3A_533 = tpu.vector_load %arg6[%get3A_532] {strides = array<i32>} : memref<512xf32, #tpu.memory_space<vmem>>, vector<16xf32>,
    %get3A_534 = vector.shape_cast %get3A_533 : vector<16xf32> to vector<16xf32>
    %eq3A_535 = vector.broadcast %mul3A_2 : i32 to vector<16xi32>
    %eq3A_536 = arith.cmpi eq, %get3A_531, %eq3A_535 : vector<16xi32>
    %jit3A_537 = arith.constant 0.000000e+00 : f32
    %broadcast_in_dim3A_538 = vector.broadcast %jit3A_537 : f32 to vector<16xf32>
    %select_n3A_539 = arith.select %eq3A_536, %get3A_534, %broadcast_in_dim3A_538 : vector<16xi1>, vector<16xf32>
    %add3A_540 = arith.addf %add3A_522, %select_n3A_539 : vector<16xf32>
    %eq3A_541 = vector.broadcast %add3A_4 : i32 to vector<16xi32>
    %eq3A_542 = arith.cmpi eq, %get3A_531, %eq3A_541 : vector<16xi32>
    %jit3A_543 = arith.constant 0.000000e+00 : f32
    %broadcast_in_dim3A_544 = vector.broadcast %jit3A_543 : f32 to vector<16xf32>
    %select_n3A_545 = arith.select %eq3A_542, %get3A_534, %broadcast_in_dim3A_544 : vector<16xi1>, vector<16xf32>
    %add3A_546 = arith.addf %add3A_528, %select_n3A_545 : vector<16xf32>
    %get3A_547 = arith.constant 368 : index
    %get3A_548 = tpu.vector_load %arg5[%get3A_547] {strides = array<i32>} : memref<512xi32, #tpu.memory_space<vmem>>, vector<16xi32>,
    %get3A_549 = vector.shape_cast %get3A_548 : vector<16xi32> to vector<16xi32>
    %get3A_550 = arith.constant 368 : index
    %get3A_551 = tpu.vector_load %arg6[%get3A_550] {strides = array<i32>} : memref<512xf32, #tpu.memory_space<vmem>>, vector<16xf32>,
    %get3A_552 = vector.shape_cast %get3A_551 : vector<16xf32> to vector<16xf32>
    %eq3A_553 = vector.broadcast %mul3A_2 : i32 to vector<16xi32>
    %eq3A_554 = arith.cmpi eq, %get3A_549, %eq3A_553 : vector<16xi32>
    %jit3A_555 = arith.constant 0.000000e+00 : f32
    %broadcast_in_dim3A_556 = vector.broadcast %jit3A_555 : f32 to vector<16xf32>
    %select_n3A_557 = arith.select %eq3A_554, %get3A_552, %broadcast_in_dim3A_556 : vector<16xi1>, vector<16xf32>
    %add3A_558 = arith.addf %add3A_540, %select_n3A_557 : vector<16xf32>
    %eq3A_559 = vector.broadcast %add3A_4 : i32 to vector<16xi32>
    %eq3A_560 = arith.cmpi eq, %get3A_549, %eq3A_559 : vector<16xi32>
    %jit3A_561 = arith.constant 0.000000e+00 : f32
    %broadcast_in_dim3A_562 = vector.broadcast %jit3A_561 : f32 to vector<16xf32>
    %select_n3A_563 = arith.select %eq3A_560, %get3A_552, %broadcast_in_dim3A_562 : vector<16xi1>, vector<16xf32>
    %add3A_564 = arith.addf %add3A_546, %select_n3A_563 : vector<16xf32>
    %get3A_565 = arith.constant 432 : index
    %get3A_566 = tpu.vector_load %arg5[%get3A_565] {strides = array<i32>} : memref<512xi32, #tpu.memory_space<vmem>>, vector<16xi32>,
    %get3A_567 = vector.shape_cast %get3A_566 : vector<16xi32> to vector<16xi32>
    %get3A_568 = arith.constant 432 : index
    %get3A_569 = tpu.vector_load %arg6[%get3A_568] {strides = array<i32>} : memref<512xf32, #tpu.memory_space<vmem>>, vector<16xf32>,
    %get3A_570 = vector.shape_cast %get3A_569 : vector<16xf32> to vector<16xf32>
    %eq3A_571 = vector.broadcast %mul3A_2 : i32 to vector<16xi32>
    %eq3A_572 = arith.cmpi eq, %get3A_567, %eq3A_571 : vector<16xi32>
    %jit3A_573 = arith.constant 0.000000e+00 : f32
    %broadcast_in_dim3A_574 = vector.broadcast %jit3A_573 : f32 to vector<16xf32>
    %select_n3A_575 = arith.select %eq3A_572, %get3A_570, %broadcast_in_dim3A_574 : vector<16xi1>, vector<16xf32>
    %add3A_576 = arith.addf %add3A_558, %select_n3A_575 : vector<16xf32>
    %eq3A_577 = vector.broadcast %add3A_4 : i32 to vector<16xi32>
    %eq3A_578 = arith.cmpi eq, %get3A_567, %eq3A_577 : vector<16xi32>
    %jit3A_579 = arith.constant 0.000000e+00 : f32
    %broadcast_in_dim3A_580 = vector.broadcast %jit3A_579 : f32 to vector<16xf32>
    %select_n3A_581 = arith.select %eq3A_578, %get3A_570, %broadcast_in_dim3A_580 : vector<16xi1>, vector<16xf32>
    %add3A_582 = arith.addf %add3A_564, %select_n3A_581 : vector<16xf32>
    %get3A_583 = arith.constant 496 : index
    %get3A_584 = tpu.vector_load %arg5[%get3A_583] {strides = array<i32>} : memref<512xi32, #tpu.memory_space<vmem>>, vector<16xi32>,
    %get3A_585 = vector.shape_cast %get3A_584 : vector<16xi32> to vector<16xi32>
    %get3A_586 = arith.constant 496 : index
    %get3A_587 = tpu.vector_load %arg6[%get3A_586] {strides = array<i32>} : memref<512xf32, #tpu.memory_space<vmem>>, vector<16xf32>,
    %get3A_588 = vector.shape_cast %get3A_587 : vector<16xf32> to vector<16xf32>
    %eq3A_589 = vector.broadcast %mul3A_2 : i32 to vector<16xi32>
    %eq3A_590 = arith.cmpi eq, %get3A_585, %eq3A_589 : vector<16xi32>
    %jit3A_591 = arith.constant 0.000000e+00 : f32
    %broadcast_in_dim3A_592 = vector.broadcast %jit3A_591 : f32 to vector<16xf32>
    %select_n3A_593 = arith.select %eq3A_590, %get3A_588, %broadcast_in_dim3A_592 : vector<16xi1>, vector<16xf32>
    %add3A_594 = arith.addf %add3A_576, %select_n3A_593 : vector<16xf32>
    %eq3A_595 = vector.broadcast %add3A_4 : i32 to vector<16xi32>
    %eq3A_596 = arith.cmpi eq, %get3A_585, %eq3A_595 : vector<16xi32>
    %jit3A_597 = arith.constant 0.000000e+00 : f32
    %broadcast_in_dim3A_598 = vector.broadcast %jit3A_597 : f32 to vector<16xf32>
    %select_n3A_599 = arith.select %eq3A_596, %get3A_588, %broadcast_in_dim3A_598 : vector<16xi1>, vector<16xf32>
    %add3A_600 = arith.addf %add3A_582, %select_n3A_599 : vector<16xf32>
    %swap3A_601 = arith.constant 48 : index
    %swap3A_602 = tpu.vector_load %arg7[%swap3A_601] {strides = array<i32>} : memref<128xf32, #tpu.memory_space<vmem>>, vector<16xf32>,
    %swap3A_603 = vector.shape_cast %swap3A_602 : vector<16xf32> to vector<16xf32>
    %swap3A_604 = vector.shape_cast %add3A_594 : vector<16xf32> to vector<16xf32>
    tpu.vector_store %arg7[%swap3A_601], %swap3A_604 {strides = array<i32>} : memref<128xf32, #tpu.memory_space<vmem>>, vector<16xf32>,
    %swap3A_605 = arith.constant 112 : index
    %swap3A_606 = tpu.vector_load %arg7[%swap3A_605] {strides = array<i32>} : memref<128xf32, #tpu.memory_space<vmem>>, vector<16xf32>,
    %swap3A_607 = vector.shape_cast %swap3A_606 : vector<16xf32> to vector<16xf32>
    %swap3A_608 = vector.shape_cast %add3A_600 : vector<16xf32> to vector<16xf32>
    tpu.vector_store %arg7[%swap3A_605], %swap3A_608 {strides = array<i32>} : memref<128xf32, #tpu.memory_space<vmem>>, vector<16xf32>,
    %mul3A_609 = arith.constant 64 : i32
    %mul3A_610 = arith.muli %mul3A_2, %mul3A_609 : i32
    "tpu.region"() ({
      %run_scoped3A = tpu.sem_alloc : memref<!tpu.dma_semaphore, #tpu.memory_space<semaphore_mem>>
      %dma_start3A = tpu.memref_slice %arg4[%mul3A_610] : memref<4096xf32, #tpu.memory_space<hbm>> -> memref<128xf32, #tpu.memory_space<hbm>>
      %dma_start3A_611 = tpu.memref_slice %arg4[%mul3A_610] : memref<4096xf32, #tpu.memory_space<hbm>> -> memref<128xf32, #tpu.memory_space<hbm>>
      tpu.enqueue_dma source(%arg7 : memref<128xf32, #tpu.memory_space<vmem>>) target(%dma_start3A_611 : memref<128xf32, #tpu.memory_space<hbm>>) target_semaphore(%run_scoped3A : memref<!tpu.dma_semaphore, #tpu.memory_space<semaphore_mem>>)
      %dma_wait3A = tpu.memref_slice %arg4[%mul3A_610] : memref<4096xf32, #tpu.memory_space<hbm>> -> memref<128xf32, #tpu.memory_space<hbm>>
      %dma_wait3A_612 = tpu.memref_slice %arg4[%mul3A_610] : memref<4096xf32, #tpu.memory_space<hbm>> -> memref<128xf32, #tpu.memory_space<hbm>>
      tpu.wait_dma2 semaphore(%run_scoped3A : memref<!tpu.dma_semaphore, #tpu.memory_space<semaphore_mem>>) src(%arg7 : memref<128xf32, #tpu.memory_space<vmem>>) dst(%dma_wait3A_612 : memref<128xf32, #tpu.memory_space<hbm>>)
      tpu.yield
    }) : () -> ()
    return
  }
}

module attributes {stable_mosaic.version = 14 : i64} {
  func.func @_moe_body(%arg0: i32, %arg1: memref<64x1024xf32, #tpu.memory_space<vmem>>, %arg2: memref<2x1x64xf32, #tpu.memory_space<vmem>>, %arg3: memref<2x256x1024xf32, #tpu.memory_space<vmem>>, %arg4: memref<2x256x1024xf32, #tpu.memory_space<vmem>>, %arg5: memref<2x256x1024xf32, #tpu.memory_space<vmem>>, %arg6: memref<2x256x1024xf32, #tpu.memory_space<vmem>>, %arg7: memref<2x512x512xf32, #tpu.memory_space<vmem>>, %arg8: memref<2x512x512xf32, #tpu.memory_space<vmem>>, %arg9: memref<64x1024xf32, #tpu.memory_space<vmem>>) attributes {dimension_semantics = [#tpu.dimension_semantics<arbitrary>], iteration_bounds = array<i64: 32>, scalar_prefetch = 0 : i64, scratch_operands = 0 : i64, tpu.core_type = #tpu.core_type<tc>, window_params = [{pipeline_mode = #tpu.pipeline_mode<synchronous>, transform_indices = @transform_0, window_bounds = array<i64: 64, 1024>}, {transform_indices = @transform_1, window_bounds = array<i64: 2, 1, 64>}, {transform_indices = @transform_2, window_bounds = array<i64: 2, 256, 1024>}, {transform_indices = @transform_3, window_bounds = array<i64: 2, 256, 1024>}, {transform_indices = @transform_4, window_bounds = array<i64: 2, 256, 1024>}, {transform_indices = @transform_5, window_bounds = array<i64: 2, 256, 1024>}, {transform_indices = @transform_6, window_bounds = array<i64: 2, 512, 512>}, {transform_indices = @transform_7, window_bounds = array<i64: 2, 512, 512>}, {pipeline_mode = #tpu.pipeline_mode<synchronous>, transform_indices = @transform_8, window_bounds = array<i64: 64, 1024>}]} {
    %get3A = arith.constant 0 : index
    %get3A_0 = arith.constant 0 : index
    %get3A_1 = vector.load %arg1[%get3A, %get3A_0] : memref<64x1024xf32, #tpu.memory_space<vmem>>, vector<64x1024xf32>
    %broadcast_in_dim3A = arith.constant 0.000000e+00 : f32
    %broadcast_in_dim3A_2 = vector.broadcast %broadcast_in_dim3A : f32 to vector<64x1024xf32>
    %get3A_3 = arith.constant 0 : index
    %get3A_4 = arith.constant 0 : index
    %get3A_5 = arith.constant 0 : index
    %get3A_6 = vector.load %arg3[%get3A_3, %get3A_4, %get3A_5] : memref<2x256x1024xf32, #tpu.memory_space<vmem>>, vector<1x256x1024xf32>
    %get3A_7 = vector.shape_cast %get3A_6 : vector<1x256x1024xf32> to vector<256x1024xf32>
    %dot_general3A = arith.constant dense<0.000000e+00> : vector<64x256xf32>
    %dot_general3A_8 = tpu.matmul %get3A_1, %get3A_7, %dot_general3A {dimension_numbers = #tpu.dot_dimension_numbers<[1], [1], [0], [0], [0, 0, 1, 0], [], []>, transpose_lhs_hint = false} : vector<64x1024xf32>, vector<256x1024xf32>, vector<64x256xf32> -> vector<64x256xf32>
    %get3A_9 = arith.constant 0 : index
    %get3A_10 = arith.constant 0 : index
    %get3A_11 = arith.constant 0 : index
    %get3A_12 = vector.load %arg5[%get3A_9, %get3A_10, %get3A_11] : memref<2x256x1024xf32, #tpu.memory_space<vmem>>, vector<1x256x1024xf32>
    %get3A_13 = vector.shape_cast %get3A_12 : vector<1x256x1024xf32> to vector<256x1024xf32>
    %dot_general3A_14 = arith.constant dense<0.000000e+00> : vector<64x256xf32>
    %dot_general3A_15 = tpu.matmul %get3A_1, %get3A_13, %dot_general3A_14 {dimension_numbers = #tpu.dot_dimension_numbers<[1], [1], [0], [0], [0, 0, 1, 0], [], []>, transpose_lhs_hint = false} : vector<64x1024xf32>, vector<256x1024xf32>, vector<64x256xf32> -> vector<64x256xf32>
    %logistic3A = arith.negf %dot_general3A_8 : vector<64x256xf32>
    %logistic3A_16 = math.exp %logistic3A : vector<64x256xf32>
    %logistic3A_17 = arith.constant 1.000000e+00 : f32
    %logistic3A_18 = vector.broadcast %logistic3A_17 : f32 to vector<64x256xf32>
    %logistic3A_19 = arith.addf %logistic3A_18, %logistic3A_16 : vector<64x256xf32>
    %logistic3A_20 = arith.divf %logistic3A_18, %logistic3A_19 : vector<64x256xf32>
    %mul3A = arith.mulf %dot_general3A_8, %logistic3A_20 : vector<64x256xf32>
    %mul3A_21 = arith.mulf %mul3A, %dot_general3A_15 : vector<64x256xf32>
    %get3A_22 = arith.constant 0 : index
    %get3A_23 = arith.constant 0 : index
    %get3A_24 = arith.constant 0 : index
    %get3A_25 = vector.load %arg4[%get3A_22, %get3A_23, %get3A_24] : memref<2x256x1024xf32, #tpu.memory_space<vmem>>, vector<1x256x1024xf32>
    %get3A_26 = vector.shape_cast %get3A_25 : vector<1x256x1024xf32> to vector<256x1024xf32>
    %dot_general3A_27 = arith.constant dense<0.000000e+00> : vector<64x256xf32>
    %dot_general3A_28 = tpu.matmul %get3A_1, %get3A_26, %dot_general3A_27 {dimension_numbers = #tpu.dot_dimension_numbers<[1], [1], [0], [0], [0, 0, 1, 0], [], []>, transpose_lhs_hint = false} : vector<64x1024xf32>, vector<256x1024xf32>, vector<64x256xf32> -> vector<64x256xf32>
    %get3A_29 = arith.constant 0 : index
    %get3A_30 = arith.constant 0 : index
    %get3A_31 = arith.constant 0 : index
    %get3A_32 = vector.load %arg6[%get3A_29, %get3A_30, %get3A_31] : memref<2x256x1024xf32, #tpu.memory_space<vmem>>, vector<1x256x1024xf32>
    %get3A_33 = vector.shape_cast %get3A_32 : vector<1x256x1024xf32> to vector<256x1024xf32>
    %dot_general3A_34 = arith.constant dense<0.000000e+00> : vector<64x256xf32>
    %dot_general3A_35 = tpu.matmul %get3A_1, %get3A_33, %dot_general3A_34 {dimension_numbers = #tpu.dot_dimension_numbers<[1], [1], [0], [0], [0, 0, 1, 0], [], []>, transpose_lhs_hint = false} : vector<64x1024xf32>, vector<256x1024xf32>, vector<64x256xf32> -> vector<64x256xf32>
    %logistic3A_36 = arith.negf %dot_general3A_28 : vector<64x256xf32>
    %logistic3A_37 = math.exp %logistic3A_36 : vector<64x256xf32>
    %logistic3A_38 = arith.constant 1.000000e+00 : f32
    %logistic3A_39 = vector.broadcast %logistic3A_38 : f32 to vector<64x256xf32>
    %logistic3A_40 = arith.addf %logistic3A_39, %logistic3A_37 : vector<64x256xf32>
    %logistic3A_41 = arith.divf %logistic3A_39, %logistic3A_40 : vector<64x256xf32>
    %mul3A_42 = arith.mulf %dot_general3A_28, %logistic3A_41 : vector<64x256xf32>
    %mul3A_43 = arith.mulf %mul3A_42, %dot_general3A_35 : vector<64x256xf32>
    %concatenate3A = tpu.concatenate %mul3A_21, %mul3A_43 in 1 : vector<64x256xf32>, vector<64x256xf32> -> vector<64x512xf32>
    %get3A_44 = arith.constant 0 : index
    %get3A_45 = arith.constant 0 : index
    %get3A_46 = arith.constant 0 : index
    %get3A_47 = vector.load %arg7[%get3A_44, %get3A_45, %get3A_46] : memref<2x512x512xf32, #tpu.memory_space<vmem>>, vector<1x512x512xf32>
    %get3A_48 = vector.shape_cast %get3A_47 : vector<1x512x512xf32> to vector<512x512xf32>
    %dot_general3A_49 = arith.constant dense<0.000000e+00> : vector<64x512xf32>
    %dot_general3A_50 = tpu.matmul %concatenate3A, %get3A_48, %dot_general3A_49 {dimension_numbers = #tpu.dot_dimension_numbers<[1], [1], [0], [0], [0, 0, 1, 0], [], []>, transpose_lhs_hint = false} : vector<64x512xf32>, vector<512x512xf32>, vector<64x512xf32> -> vector<64x512xf32>
    %get3A_51 = arith.constant 0 : index
    %get3A_52 = arith.constant 0 : index
    %get3A_53 = arith.constant 0 : index
    %get3A_54 = vector.load %arg8[%get3A_51, %get3A_52, %get3A_53] : memref<2x512x512xf32, #tpu.memory_space<vmem>>, vector<1x512x512xf32>
    %get3A_55 = vector.shape_cast %get3A_54 : vector<1x512x512xf32> to vector<512x512xf32>
    %dot_general3A_56 = arith.constant dense<0.000000e+00> : vector<64x512xf32>
    %dot_general3A_57 = tpu.matmul %concatenate3A, %get3A_55, %dot_general3A_56 {dimension_numbers = #tpu.dot_dimension_numbers<[1], [1], [0], [0], [0, 0, 1, 0], [], []>, transpose_lhs_hint = false} : vector<64x512xf32>, vector<512x512xf32>, vector<64x512xf32> -> vector<64x512xf32>
    %concatenate3A_58 = tpu.concatenate %dot_general3A_50, %dot_general3A_57 in 1 : vector<64x512xf32>, vector<64x512xf32> -> vector<64x1024xf32>
    %get3A_59 = arith.constant 0 : index
    %get3A_60 = arith.constant 0 : index
    %get3A_61 = arith.constant 0 : index
    %get3A_62 = vector.load %arg2[%get3A_59, %get3A_60, %get3A_61] : memref<2x1x64xf32, #tpu.memory_space<vmem>>, vector<1x1x64xf32>
    %get3A_63 = vector.shape_cast %get3A_62 : vector<1x1x64xf32> to vector<64xf32>
    %broadcast_in_dim3A_64 = vector.shape_cast %get3A_63 : vector<64xf32> to vector<64x1xf32>
    %mul3A_65 = vector.broadcast %broadcast_in_dim3A_64 : vector<64x1xf32> to vector<64x1024xf32>
    %mul3A_66 = arith.mulf %concatenate3A_58, %mul3A_65 : vector<64x1024xf32>
    %add3A = arith.addf %broadcast_in_dim3A_2, %mul3A_66 : vector<64x1024xf32>
    %get3A_67 = arith.constant 1 : index
    %get3A_68 = arith.constant 0 : index
    %get3A_69 = arith.constant 0 : index
    %get3A_70 = vector.load %arg3[%get3A_67, %get3A_68, %get3A_69] : memref<2x256x1024xf32, #tpu.memory_space<vmem>>, vector<1x256x1024xf32>
    %get3A_71 = vector.shape_cast %get3A_70 : vector<1x256x1024xf32> to vector<256x1024xf32>
    %dot_general3A_72 = arith.constant dense<0.000000e+00> : vector<64x256xf32>
    %dot_general3A_73 = tpu.matmul %get3A_1, %get3A_71, %dot_general3A_72 {dimension_numbers = #tpu.dot_dimension_numbers<[1], [1], [0], [0], [0, 0, 1, 0], [], []>, transpose_lhs_hint = false} : vector<64x1024xf32>, vector<256x1024xf32>, vector<64x256xf32> -> vector<64x256xf32>
    %get3A_74 = arith.constant 1 : index
    %get3A_75 = arith.constant 0 : index
    %get3A_76 = arith.constant 0 : index
    %get3A_77 = vector.load %arg5[%get3A_74, %get3A_75, %get3A_76] : memref<2x256x1024xf32, #tpu.memory_space<vmem>>, vector<1x256x1024xf32>
    %get3A_78 = vector.shape_cast %get3A_77 : vector<1x256x1024xf32> to vector<256x1024xf32>
    %dot_general3A_79 = arith.constant dense<0.000000e+00> : vector<64x256xf32>
    %dot_general3A_80 = tpu.matmul %get3A_1, %get3A_78, %dot_general3A_79 {dimension_numbers = #tpu.dot_dimension_numbers<[1], [1], [0], [0], [0, 0, 1, 0], [], []>, transpose_lhs_hint = false} : vector<64x1024xf32>, vector<256x1024xf32>, vector<64x256xf32> -> vector<64x256xf32>
    %logistic3A_81 = arith.negf %dot_general3A_73 : vector<64x256xf32>
    %logistic3A_82 = math.exp %logistic3A_81 : vector<64x256xf32>
    %logistic3A_83 = arith.constant 1.000000e+00 : f32
    %logistic3A_84 = vector.broadcast %logistic3A_83 : f32 to vector<64x256xf32>
    %logistic3A_85 = arith.addf %logistic3A_84, %logistic3A_82 : vector<64x256xf32>
    %logistic3A_86 = arith.divf %logistic3A_84, %logistic3A_85 : vector<64x256xf32>
    %mul3A_87 = arith.mulf %dot_general3A_73, %logistic3A_86 : vector<64x256xf32>
    %mul3A_88 = arith.mulf %mul3A_87, %dot_general3A_80 : vector<64x256xf32>
    %get3A_89 = arith.constant 1 : index
    %get3A_90 = arith.constant 0 : index
    %get3A_91 = arith.constant 0 : index
    %get3A_92 = vector.load %arg4[%get3A_89, %get3A_90, %get3A_91] : memref<2x256x1024xf32, #tpu.memory_space<vmem>>, vector<1x256x1024xf32>
    %get3A_93 = vector.shape_cast %get3A_92 : vector<1x256x1024xf32> to vector<256x1024xf32>
    %dot_general3A_94 = arith.constant dense<0.000000e+00> : vector<64x256xf32>
    %dot_general3A_95 = tpu.matmul %get3A_1, %get3A_93, %dot_general3A_94 {dimension_numbers = #tpu.dot_dimension_numbers<[1], [1], [0], [0], [0, 0, 1, 0], [], []>, transpose_lhs_hint = false} : vector<64x1024xf32>, vector<256x1024xf32>, vector<64x256xf32> -> vector<64x256xf32>
    %get3A_96 = arith.constant 1 : index
    %get3A_97 = arith.constant 0 : index
    %get3A_98 = arith.constant 0 : index
    %get3A_99 = vector.load %arg6[%get3A_96, %get3A_97, %get3A_98] : memref<2x256x1024xf32, #tpu.memory_space<vmem>>, vector<1x256x1024xf32>
    %get3A_100 = vector.shape_cast %get3A_99 : vector<1x256x1024xf32> to vector<256x1024xf32>
    %dot_general3A_101 = arith.constant dense<0.000000e+00> : vector<64x256xf32>
    %dot_general3A_102 = tpu.matmul %get3A_1, %get3A_100, %dot_general3A_101 {dimension_numbers = #tpu.dot_dimension_numbers<[1], [1], [0], [0], [0, 0, 1, 0], [], []>, transpose_lhs_hint = false} : vector<64x1024xf32>, vector<256x1024xf32>, vector<64x256xf32> -> vector<64x256xf32>
    %logistic3A_103 = arith.negf %dot_general3A_95 : vector<64x256xf32>
    %logistic3A_104 = math.exp %logistic3A_103 : vector<64x256xf32>
    %logistic3A_105 = arith.constant 1.000000e+00 : f32
    %logistic3A_106 = vector.broadcast %logistic3A_105 : f32 to vector<64x256xf32>
    %logistic3A_107 = arith.addf %logistic3A_106, %logistic3A_104 : vector<64x256xf32>
    %logistic3A_108 = arith.divf %logistic3A_106, %logistic3A_107 : vector<64x256xf32>
    %mul3A_109 = arith.mulf %dot_general3A_95, %logistic3A_108 : vector<64x256xf32>
    %mul3A_110 = arith.mulf %mul3A_109, %dot_general3A_102 : vector<64x256xf32>
    %concatenate3A_111 = tpu.concatenate %mul3A_88, %mul3A_110 in 1 : vector<64x256xf32>, vector<64x256xf32> -> vector<64x512xf32>
    %get3A_112 = arith.constant 1 : index
    %get3A_113 = arith.constant 0 : index
    %get3A_114 = arith.constant 0 : index
    %get3A_115 = vector.load %arg7[%get3A_112, %get3A_113, %get3A_114] : memref<2x512x512xf32, #tpu.memory_space<vmem>>, vector<1x512x512xf32>
    %get3A_116 = vector.shape_cast %get3A_115 : vector<1x512x512xf32> to vector<512x512xf32>
    %dot_general3A_117 = arith.constant dense<0.000000e+00> : vector<64x512xf32>
    %dot_general3A_118 = tpu.matmul %concatenate3A_111, %get3A_116, %dot_general3A_117 {dimension_numbers = #tpu.dot_dimension_numbers<[1], [1], [0], [0], [0, 0, 1, 0], [], []>, transpose_lhs_hint = false} : vector<64x512xf32>, vector<512x512xf32>, vector<64x512xf32> -> vector<64x512xf32>
    %get3A_119 = arith.constant 1 : index
    %get3A_120 = arith.constant 0 : index
    %get3A_121 = arith.constant 0 : index
    %get3A_122 = vector.load %arg8[%get3A_119, %get3A_120, %get3A_121] : memref<2x512x512xf32, #tpu.memory_space<vmem>>, vector<1x512x512xf32>
    %get3A_123 = vector.shape_cast %get3A_122 : vector<1x512x512xf32> to vector<512x512xf32>
    %dot_general3A_124 = arith.constant dense<0.000000e+00> : vector<64x512xf32>
    %dot_general3A_125 = tpu.matmul %concatenate3A_111, %get3A_123, %dot_general3A_124 {dimension_numbers = #tpu.dot_dimension_numbers<[1], [1], [0], [0], [0, 0, 1, 0], [], []>, transpose_lhs_hint = false} : vector<64x512xf32>, vector<512x512xf32>, vector<64x512xf32> -> vector<64x512xf32>
    %concatenate3A_126 = tpu.concatenate %dot_general3A_118, %dot_general3A_125 in 1 : vector<64x512xf32>, vector<64x512xf32> -> vector<64x1024xf32>
    %get3A_127 = arith.constant 1 : index
    %get3A_128 = arith.constant 0 : index
    %get3A_129 = arith.constant 0 : index
    %get3A_130 = vector.load %arg2[%get3A_127, %get3A_128, %get3A_129] : memref<2x1x64xf32, #tpu.memory_space<vmem>>, vector<1x1x64xf32>
    %get3A_131 = vector.shape_cast %get3A_130 : vector<1x1x64xf32> to vector<64xf32>
    %broadcast_in_dim3A_132 = vector.shape_cast %get3A_131 : vector<64xf32> to vector<64x1xf32>
    %mul3A_133 = vector.broadcast %broadcast_in_dim3A_132 : vector<64x1xf32> to vector<64x1024xf32>
    %mul3A_134 = arith.mulf %concatenate3A_126, %mul3A_133 : vector<64x1024xf32>
    %add3A_135 = arith.addf %add3A, %mul3A_134 : vector<64x1024xf32>
    %eq3A = arith.constant 0 : i32
    %eq3A_136 = arith.cmpi eq, %arg0, %eq3A : i32
    %convert_element_type3A = arith.extui %eq3A_136 : i1 to i32
    %cond3A = arith.constant 0 : i32
    %cond3A_137 = arith.cmpi ne, %convert_element_type3A, %cond3A : i32
    scf.if %cond3A_137 {
      %swap3A = arith.constant 0 : index
      %swap3A_142 = arith.constant 0 : index
      %swap3A_143 = vector.load %arg9[%swap3A, %swap3A_142] : memref<64x1024xf32, #tpu.memory_space<vmem>>, vector<64x1024xf32>
      tpu.vector_store %arg9[%swap3A, %swap3A_142], %add3A_135 {strides = array<i32>} : memref<64x1024xf32, #tpu.memory_space<vmem>>, vector<64x1024xf32>,
    } else {
    }
    %gt3A = arith.constant 0 : i32
    %gt3A_138 = arith.cmpi sgt, %arg0, %gt3A : i32
    %convert_element_type3A_139 = arith.extui %gt3A_138 : i1 to i32
    %cond3A_140 = arith.constant 0 : i32
    %cond3A_141 = arith.cmpi ne, %convert_element_type3A_139, %cond3A_140 : i32
    scf.if %cond3A_141 {
      %get3A_142 = arith.constant 0 : index
      %get3A_143 = arith.constant 0 : index
      %get3A_144 = vector.load %arg9[%get3A_142, %get3A_143] : memref<64x1024xf32, #tpu.memory_space<vmem>>, vector<64x1024xf32>
      %add3A_145 = arith.addf %get3A_144, %add3A_135 : vector<64x1024xf32>
      %swap3A = arith.constant 0 : index
      %swap3A_146 = arith.constant 0 : index
      %swap3A_147 = vector.load %arg9[%swap3A, %swap3A_146] : memref<64x1024xf32, #tpu.memory_space<vmem>>, vector<64x1024xf32>
      tpu.vector_store %arg9[%swap3A, %swap3A_146], %add3A_145 {strides = array<i32>} : memref<64x1024xf32, #tpu.memory_space<vmem>>, vector<64x1024xf32>,
    } else {
    }
    return
  }
  func.func @transform_0(%arg0: i32) -> (i32, i32) {
    %c0_i32 = arith.constant 0 : i32
    %c0_i32_0 = arith.constant 0 : i32
    %c0_i32_1 = arith.constant 0 : i32
    return %c0_i32, %c0_i32_0 : i32, i32
  }
  func.func @transform_1(%arg0: i32) -> (i32, i32, i32) {
    %c0_i32 = arith.constant 0 : i32
    %c0_i32_0 = arith.constant 0 : i32
    %c0_i32_1 = arith.constant 0 : i32
    return %arg0, %c0_i32, %c0_i32_0 : i32, i32, i32
  }
  func.func @transform_2(%arg0: i32) -> (i32, i32, i32) {
    %c0_i32 = arith.constant 0 : i32
    %c0_i32_0 = arith.constant 0 : i32
    %c0_i32_1 = arith.constant 0 : i32
    return %arg0, %c0_i32, %c0_i32_0 : i32, i32, i32
  }
  func.func @transform_3(%arg0: i32) -> (i32, i32, i32) {
    %c1_i32 = arith.constant 1 : i32
    %c0_i32 = arith.constant 0 : i32
    %c0_i32_0 = arith.constant 0 : i32
    return %arg0, %c1_i32, %c0_i32 : i32, i32, i32
  }
  func.func @transform_4(%arg0: i32) -> (i32, i32, i32) {
    %c2_i32 = arith.constant 2 : i32
    %c0_i32 = arith.constant 0 : i32
    %c0_i32_0 = arith.constant 0 : i32
    return %arg0, %c2_i32, %c0_i32 : i32, i32, i32
  }
  func.func @transform_5(%arg0: i32) -> (i32, i32, i32) {
    %c3_i32 = arith.constant 3 : i32
    %c0_i32 = arith.constant 0 : i32
    %c0_i32_0 = arith.constant 0 : i32
    return %arg0, %c3_i32, %c0_i32 : i32, i32, i32
  }
  func.func @transform_6(%arg0: i32) -> (i32, i32, i32) {
    %c0_i32 = arith.constant 0 : i32
    %c0_i32_0 = arith.constant 0 : i32
    %c0_i32_1 = arith.constant 0 : i32
    return %arg0, %c0_i32, %c0_i32_0 : i32, i32, i32
  }
  func.func @transform_7(%arg0: i32) -> (i32, i32, i32) {
    %c1_i32 = arith.constant 1 : i32
    %c0_i32 = arith.constant 0 : i32
    %c0_i32_0 = arith.constant 0 : i32
    return %arg0, %c1_i32, %c0_i32 : i32, i32, i32
  }
  func.func @transform_8(%arg0: i32) -> (i32, i32) {
    %c0_i32 = arith.constant 0 : i32
    %c0_i32_0 = arith.constant 0 : i32
    %c0_i32_1 = arith.constant 0 : i32
    return %c0_i32, %c0_i32_0 : i32, i32
  }
}

</mosaic_0001>

<sc_bundles>
// kernel: kernel.4.cloned.1.call-start
scs
__scs_entry_jumppad:
0x0: {  	(pc) =	sbr.rel $0x88, $3  }
0x1: {  	(tag) =	ssettag $0x0;
	lr =	simm.s32 $0x1  }
0x2: {  	[smem:$0x3F9C] =	sst lr;
	_ =	strace $0xD0000000  }
0x3: {  	_ = 	snop  }
0x4: {  	_ = 	snop  }
0x5: {  	_ = 	snop  }
0x6: {  	_ = 	snop  }
0x7: {  	_ = 	snop  }
__scs_overlays_trampoline_lowered:
0x8: {  	[smem:$0x3FAB] =	sst s0  }
0x9: {  	[smem:$0x3FAC] =	sst s1  }
0xa: {  	[smem:$0x3FAD] =	sst s2  }
0xb: {  	[smem:$0x3FAE] =	sst s3  }
0xc: {  	[smem:$0x3FAF] =	sst s4  }
0xd: {  	[smem:$0x3FB0] =	sst s5  }
0xe: {  	[smem:$0x3FB1] =	sst s6  }
0xf: {  	[smem:$0x3FB2] =	sst s7  }
0x10: {  	[smem:$0x3FB3] =	sst s8  }
0x11: {  	[smem:$0x3FB4] =	sst s9;
	s0 =	simm.s32 @!p0 $0x0  }
0x12: {  	s1 =	sld [smem:$0x3F9A];
	s0 =	simm.s32 @p0 $0x1  }
0x13: {  	[smem:$0x3FB5] =	sst s0;
	s0 =	simm.s32 @!p1 $0x0  }
0x14: {  	s2 =	sld [smem:$0x3F99];
	s0 =	simm.s32 @p1 $0x1  }
0x15: {  	[smem:$0x3FB6] =	sst s0;
	s0 =	simm.s32 @!p2 $0x0  }
0x16: {  	s3 =	sld [smem:$0x3FDB];
	s0 =	simm.s32 @p2 $0x1  }
0x17: {  	s4 =	simm.s32 $0x1BF5;
	[smem:$0x3FB8] =	sst s0  }
0x18: {  	s0 =	sld [smem:$0x3F9B];
	_ =	swait.ge [sflag:s4], $0x0  }
0x19: {  	s7 =	sld [smem:$0x3F9C]  }
0x1a: {  	s8 =	sadd.s32 $0xFFFFE003, lr  }
0x1b: {  	s9 =	sadd.s32 $0xFFFFFEF7, lr;
	s5 =	simm.s32 $0xFFFFFFFF;
	p2 =	slt.u32 s8, $0xFFFFF086  }
0x1c: {  	p1 =	slt.u32 s9, $0xF7A;
	s5 =	simm.s32 @!p2 $0x0  }
0x1d: {  	s5 =	simm.s32 @p1 $0x1;
	p0 =	seq.s32 s7, s2  }
0x1e: {  	s7 =	smul.u32 @!p0 $0xF7A, s2;
	p2 =	seq.s32 @!p0 s5, $0x0  }
0x1f: {  	s9 =	smul.u32 $0xF7A, s1;
	s8 =	simm.s32 @!p0 $0x1BF5;
	p2 =	por !p2, p0  }
0x20: {  	[sflag:s8] =	ssyncset.s32 @!p0 $0xFFFFF086;
	s6 =	sadd.s32 @!p0 s3, s7;
	s7 =	simm.s32 @!p0 $0x108  }
0x21: {  	s3 =	sadd.s32 s3, s9;
	s6 =	sadd.s32 @!p0 $0x88, s6;
	s7 =	simm.s32 @p2 $0x1082  }
0x22: {  	[simem:s7], [sflag:s8] =	dma.local @!p0 [hbm:s6], $0xF7A  }
0x23: {  	s9 =	sor.u32 $0xD0000000, s2;
	s6 =	simm.s32 $0x108;
	_ =	swait.ge @!p0 [sflag:s8], $0x0  }
0x24: {  	s3 =	sadd.s32 $0x88, s3;
	s6 =	simm.s32 @!p1 $0x1082;
	[sflag:s4] =	ssyncset.s32 $0xFFFFF086  }
0x25: {  	[simem:s6], [sflag:s4] =	dma.local [hbm:s3], $0xF7A  }
0x26: {  	[smem:$0x3F9C] =	sst s1;
	(tag) =	ssettag s2;
	_ =	strace s9  }
0x27: {  	s1 =	sld [smem:$0x3FAC]  }
0x28: {  	s2 =	sld [smem:$0x3FAD]  }
0x29: {  	s4 =	sld [smem:$0x3FAF]  }
0x2a: {  	p0 =	seq.s32 s5, $0x0;
	s5 =	sld [smem:$0x3FB0]  }
0x2b: {  	s6 =	sld [smem:$0x3FB1]  }
0x2c: {  	s7 =	sld [smem:$0x3FB2]  }
0x2d: {  	s3 =	simm.s32 $0x108;
	s8 =	sld [smem:$0x3FB3]  }
0x2e: {  	s3 =	simm.s32 @!p0 $0x1082;
	s9 =	sld [smem:$0x3FB4]  }
0x2f: {  	lr =	sadd.s32 s0, s3;
	s0 =	sld [smem:$0x3FAB]  }
0x30: {  	s3 =	sld [smem:$0x3FAE]  }
0x31: {  	[smem:$0x3FB7] =	sst s10  }
0x32: {  	s10 =	sld [smem:$0x3FB5];
	_ =	sdelay $0x3  }
0x33: {  	p0 =	seq.s32 s10, $0x1;
	s10 =	sld [smem:$0x3FB7];
	_ =	sdelay $0x3  }
0x34: {  	[smem:$0x3FB7] =	sst s10  }
0x35: {  	s10 =	sld [smem:$0x3FB6];
	_ =	sdelay $0x3  }
0x36: {  	p1 =	seq.s32 s10, $0x1;
	s10 =	sld [smem:$0x3FB7];
	_ =	sdelay $0x3  }
0x37: {  	[smem:$0x3FB7] =	sst s10  }
0x38: {  	s10 =	sld [smem:$0x3FB8]  }
0x39: {  	_ = 	snop;
	(pc) =	sbr.ind lr, $3  }
0x3a: {  	_ = 	snop  }
0x3b: {  	_ = 	snop  }
0x3c: {  	p2 =	seq.s32 s10, $0x1;
	s10 =	sld [smem:$0x3FB7]  }
0x3d: {  	_ =	shalt  }
0x3e: {  	_ =	shalt  }
0x3f: {  	_ =	shalt  }
0x40: {  	_ =	shalt  }
0x41: {  	_ =	shalt  }
0x42: {  	_ =	shalt  }
0x43: {  	_ =	shalt  }
0x44: {  	_ =	shalt  }
0x45: {  	_ =	shalt  }
0x46: {  	_ =	shalt  }
0x47: {  	_ =	shalt  }
0x48: {  	_ =	shalt  }
0x49: {  	_ =	shalt  }
0x4a: {  	_ =	shalt  }
0x4b: {  	_ =	shalt  }
0x4c: {  	_ =	shalt  }
0x4d: {  	_ =	shalt  }
0x4e: {  	_ =	shalt  }
0x4f: {  	_ =	shalt  }
0x50: {  	_ =	shalt  }
0x51: {  	_ =	shalt  }
0x52: {  	_ =	shalt  }
0x53: {  	_ =	shalt  }
0x54: {  	_ =	shalt  }
0x55: {  	_ =	shalt  }
0x56: {  	_ =	shalt  }
0x57: {  	_ =	shalt  }
0x58: {  	_ =	shalt  }
0x59: {  	_ =	shalt  }
0x5a: {  	_ =	shalt  }
0x5b: {  	_ =	shalt  }
0x5c: {  	_ =	shalt  }
0x5d: {  	_ =	shalt  }
0x5e: {  	_ =	shalt  }
0x5f: {  	_ =	shalt  }
0x60: {  	_ =	shalt  }
0x61: {  	_ =	shalt  }
0x62: {  	_ =	shalt  }
0x63: {  	_ =	shalt  }
0x64: {  	_ =	shalt  }
0x65: {  	_ =	shalt  }
0x66: {  	_ =	shalt  }
0x67: {  	_ =	shalt  }
0x68: {  	_ =	shalt  }
0x69: {  	_ =	shalt  }
0x6a: {  	_ =	shalt  }
0x6b: {  	_ =	shalt  }
0x6c: {  	_ =	shalt  }
0x6d: {  	_ =	shalt  }
0x6e: {  	_ =	shalt  }
0x6f: {  	_ =	shalt  }
0x70: {  	_ =	shalt  }
0x71: {  	_ =	shalt  }
0x72: {  	_ =	shalt  }
0x73: {  	_ =	shalt  }
0x74: {  	_ =	shalt  }
0x75: {  	_ =	shalt  }
0x76: {  	_ =	shalt  }
0x77: {  	_ =	shalt  }
0x78: {  	_ =	shalt  }
0x79: {  	_ =	shalt  }
0x7a: {  	_ =	shalt  }
0x7b: {  	_ =	shalt  }
0x7c: {  	_ =	shalt  }
0x7d: {  	_ =	shalt  }
0x7e: {  	_ =	shalt  }
0x7f: {  	_ =	shalt  }
0x80: {  	_ =	shalt  }
0x81: {  	_ =	shalt  }
0x82: {  	_ =	shalt  }
0x83: {  	_ =	shalt  }
0x84: {  	_ =	shalt  }
0x85: {  	_ =	shalt  }
0x86: {  	_ =	shalt  }
0x87: {  	_ =	shalt  }
.Lfunc_end0:
.L_simem_size_0:
called_computation_lowered:
.L_overlay_start_0:
0x88: {  	s2 =	sld [smem:$0x3FD9]  }
0x89: {  	s3 =	sld [smem:$0x3FFE];
	_ =	sdelay $0x1  }
0x8a: {  	s1 =	srdreg.scid  }
0x8b: {  	s0 =	sand.u32 $0x1, s1  }
0x8c: {  	s17 =	sshll.u32 s0, $0xA;
	s2 =	sadd.s32 s3, s2  }
0x8d: {  	s2 =	sadd.s32 s2, s17  }
0x8e: {  	[smem:$0x3FC3] =	sst s2  }
0x8f: {  	_ = 	snop  }
0x90: {  	s2 =	sld [smem:$0x3FD0];
	(tm) =	ssettm $0x1  }
0x91: {  	s18 =	sld [smem:$0x3FFB];
	_ =	sdelay $0x3  }
0x92: {  	_ =	strace s18  }
0x93: {  	s3 =	sld [smem:$0x3FFC];
	_ =	sdelay $0x3  }
0x94: {  	_ =	strace s3  }
0x95: {  	s3 =	sld [smem:$0x3FFD];
	_ =	sdelay $0x3  }
0x96: {  	_ =	strace s3  }
0x97: {  	_ =	strace $0x8FFFFFFF  }
0x98: {  	s19 =	sld [smem:$0x3FDB];
	_ =	sdelay $0x1  }
0x99: {  	s4 =	simm.s32 $_scs_section_size  }
0x9a: {  	s5 =	simm.s32 $_size__tile_overlayer_lowered;
	s6 =	simm.s32 $_tile_overlayer_lowered  }
0x9b: {  	s22 =	simm.s32 $0x1BFF;
	s21 =	sshll.u32 s6, $0x1;
	s3 =	sadd.s32 s4, s19  }
0x9c: {  	s7 =	simm.s32 $0x0;
	s20 =	sshll.u32 s5, $0x1;
	s5 =	sadd.s32 s21, s3  }
0x9d: {  	[timem:s7], [sflag:s22] =	dma.local [hbm:s5], s20  }
0x9e: {  	_ =	swait.ge [sflag:s22], s20  }
0x9f: {  	s4 =	ssub.s32 $0x0, s20;
	[sflag:s22] =	ssyncset.done $0x0  }
0xa0: {  	[sflag:s22] =	ssyncadd.s32 s4;
	_ =	sdelay $0x1  }
0xa1: {  	s23 =	simm.s32 $0x1B8B  }
0xa2: {  	_ =	swait.ge [sflag:s23], $0x1  }
0xa3: {  	[sflag:s23] =	ssyncset.done $0x0  }
0xa4: {  	s25 =	simm.s32 $0x1B8E;
	s24 =	sld [smem:$0x3FFE];
	[sflag:s23] =	ssyncadd.s32 $0xFFFFFFFF  }
0xa5: {  	s26 =	simm.s32 $execute0_lowered;
	[smem:$0x3FD2] =	sst s25  }
0xa6: {  	s5 =	sshll.u32 s26, $0x1;
	_ =	strace $0x80000046;
	[dreg:$0x1] =	wrdreg $0xFFFFFFFF  }
0xa7: {  	s28 =	simm.s32 $_size_execute0_lowered;
	s3 =	sadd.s32 s3, s5;
	[dreg:$0x0] =	wrdreg $0x0  }
0xa8: {  	s5 =	sshll.u32 s28, $0x1;
	[dreg:$0x2] =	wrdreg s3  }
0xa9: {  	[dreg:$0x3] =	wrdreg s5  }
0xaa: {  	[dreg:$0x4] =	wrdreg $0xC0  }
0xab: {  	_ =	task [dreg:s7], $0x5FFFF  }
0xac: {  	[dreg:$0x1] =	wrdreg $0xFFFFFFFF  }
0xad: {  	[dreg:$0x0] =	wrdreg $0x60  }
0xae: {  	[dreg:$0x2] =	wrdreg s24  }
0xaf: {  	[dreg:$0x3] =	wrdreg s2  }
0xb0: {  	[dreg:$0x4] =	wrdreg $0x9  }
0xb1: {  	_ =	task.clear_ibuf [dreg:s7], $0x5FFFF;
	_ =	strace $0x90000046  }
0xb2: {  	s29 =	simm.s32 $0x9;
	_ =	strace $0x80000048  }
0xb3: {  	_ =	swait.ge [sflag:s29], $0x1  }
0xb4: {  	[sflag:s29] =	ssyncadd.s32 $0xFFFFFFFF  }
0xb5: {  	_ =	strace $0x90000048  }
0xb6: {  	_ =	sfence  }
0xb7: {  	s30 =	sld [smem:$0x0];
	_ =	sdelay $0x2  }
0xb8: {  	s31 =	sshll.u32 s1, $0xD;
	s1 =	sshrl.u32 s1, $0x2  }
0xb9: {  	s3 =	sand.u32 $0x4000, s31;
	s1 =	sadd.s32 s1, s30  }
0xba: {  	s0 =	sor.u32 s3, s0;
	s1 =	sshll.u32 s1, $0x11  }
0xbb: {  	s0 =	sor.u32 s1, s0  }
0xbc: {  	s0 =	sadd.s32 $0x8F2B, s0  }
0xbd: {  	[sflag:s0] =	ssyncadd.remote.s32 $0x1  }
0xbe: {  	_ =	sfence.sel $0xFFFF  }
0xbf: {  	[dreg:$0x0] =	wrdreg $0xFFFFFFFF;
	(pc) =	sbr.abs _section_cstart, $3  }
0xc0: {  	[dreg:$0x1] =	wrdreg $0xFFFFFFFF  }
0xc1: {  	_ =	task.clear_ibuf [dreg:s7], $0x2FFFF;
	_ =	strace $0x9FFFFFFF  }
0xc2: {  	(tm) =	ssettm $0x7FFFFFFF  }
0xc3: {  	_ =	shalt  }
tec
execute0_lowered:
.L_overlay_start_1:
0x0: {  	(tag) =	ssettag $0x1  }
0x1: {  	s4 =	rddreg [dreg:$0x0]  }
0x2: {  	s5 =	rddreg [dreg:$0x1]  }
0x3: {  	s0 =	rddreg [dreg:$0x2]  }
0x4: {  	s2 =	simm.s32 $0x0;
	s3 =	srdreg.scid;
	s1 =	stileid.u32  }
0x5: {  	[smem:$0x7FF] =	sst s2;
	s6 =	sand.u32 $0x1, s3;
	s3 =	sadd.s32 $0x600, s4  }
0x6: {  	s8 =	sshll.u32 s1, $0x1;
	s4 =	sadd.s32 $0x800, s4;
	s7 =	ssub.s32 $0x2, s6  }
0x7: {  	_ =	strace $0x80000047;
	s6 =	sor.u32 s6, s8;
	s9 =	sshrl.u32 s7, $0x1  }
0x8: {  	s8 =	sshll.u32 s6, $0x1;
	s31 =	sshll.u32 s6, $0x4;
	s10 =	sshllo.u32 s6, $0x1  }
0x9: {  	s7 =	ssub.s32 s7, s9;
	s5 =	sadd.s32 s5, s31;
	v0 =	vmov s8;
	s8 =	simm.s32 $0x200  }
0xa: {  	v1 =	vmov s10;
	s9 =	simm.s32 $0x400;
	s6 =	smax.u32 s7, $0x1;
	s7 =	simm.s32 $0x1  }
.LBB2_1:
0xb: {  	[tilespmem:s2], [sflag:$0x1] =	stream.linear.gather [hbm4b:s3+s2], $0x200, $0x38;
	[tilespmem:$0x480] =	vst v63  }
0xc: {  	_ =	swait.ge [sflag:s7], $0x200  }
0xd: {  	[sflag:s7] =	ssyncset.done $0x0  }
0xe: {  	[sflag:s7] =	ssyncadd.s32 $0xFFFFFE00  }
0xf: {  	[tilespmem:s8], [sflag:$0x1] =	stream.linear.gather [hbm4b:s4+s2], $0x200, $0x38;
	[tilespmem:$0x480] =	vst v63  }
0x10: {  	_ =	swait.ge [sflag:s7], $0x200  }
0x11: {  	[sflag:s7] =	ssyncset.done $0x0  }
0x12: {  	[sflag:s7] =	ssyncadd.s32 $0xFFFFFE00  }
0x13: {  	v2 =	vld [tilespmem:$0x0]  }
0x14: {  	v3 =	vld [tilespmem:$0x200]  }
0x15: {  	v4 =	vld [tilespmem:$0x40]  }
0x16: {  	v5 =	vld [tilespmem:$0x240]  }
0x17: {  	v6 =	vld [tilespmem:$0x80]  }
0x18: {  	v7 =	vld [tilespmem:$0x280]  }
0x19: {  	v8 =	vld [tilespmem:$0xC0]  }
0x1a: {  	v9 =	vld [tilespmem:$0x2C0]  }
0x1b: {  	v10 =	vld [tilespmem:$0x100]  }
0x1c: {  	v54 =	vld [tilespmem:$0x140]  }
0x1d: {  	v55 =	vld [tilespmem:$0x340]  }
0x1e: {  	v14 =	vld [tilespmem:$0x180]  }
0x1f: {  	v57 =	vld [tilespmem:$0x380]  }
0x20: {  	v59 =	vld [tilespmem:$0x1C0]  }
0x21: {  	v61 =	vld [tilespmem:$0x3C0]  }
0x22: {  	v62 =	vld [tilespmem:$0x210]  }
0x23: {  	v18 =	vld [tilespmem:$0x10]  }
0x24: {  	v20 =	vld [tilespmem:$0x50]  }
0x25: {  	v22 =	vld [tilespmem:$0x250]  }
0x26: {  	v40 =	vld [tilespmem:$0x220];
	v3 =	vadd.f32 $0.0e+00, v3;
	vm0 =	veq.s32 v2, v0  }
0x27: {  	v23 =	vld [tilespmem:$0x90];
	vm14 =	veq.s32 v2, v1;
	vm1 =	veq.s32 v4, v0;
	vm15 =	veq.s32 v4, v1  }
0x28: {  	v25 =	vld [tilespmem:$0xD0];
	vm4 =	veq.s32 v6, v0;
	vm5 =	veq.s32 v6, v1;
	vm6 =	veq.s32 v8, v0  }
0x29: {  	v27 =	vld [tilespmem:$0x2D0];
	vm7 =	veq.s32 v8, v1;
	vm8 =	veq.s32 v10, v0;
	vm9 =	veq.s32 v10, v1  }
0x2a: {  	v28 =	vld [tilespmem:$0x110];
	vm10 =	veq.s32 v54, v0;
	vm11 =	veq.s32 v54, v1;
	vm12 =	veq.s32 v14, v0  }
0x2b: {  	v29 =	vld [tilespmem:$0x310];
	vm13 =	veq.s32 v14, v1;
	v49 =	vadd.f32 $0.0e+00, v40;
	v12 =	vnsel vm1, $0x0, v5  }
0x2c: {  	v31 =	vld [tilespmem:$0x150];
	v5 =	vnsel vm15, $0x0, v5;
	v13 =	vnsel vm4, $0x0, v7;
	v7 =	vnsel vm5, $0x0, v7  }
0x2d: {  	v33 =	vld [tilespmem:$0x350];
	v56 =	vnsel vm6, $0x0, v9;
	v58 =	vnsel vm7, $0x0, v9;
	v63 =	vnsel vm10, $0x0, v55  }
0x2e: {  	v37 =	vld [tilespmem:$0x1D0];
	v19 =	vnsel vm11, $0x0, v55;
	v21 =	vnsel vm12, $0x0, v57;
	vm15 =	veq.s32 v59, v1  }
0x2f: {  	v39 =	vld [tilespmem:$0x3D0];
	vm4 =	veq.s32 v18, v0;
	vm5 =	veq.s32 v18, v1;
	vm6 =	veq.s32 v20, v0  }
0x30: {  	v43 =	vld [tilespmem:$0x60];
	vm7 =	veq.s32 v20, v1;
	vm10 =	veq.s32 v25, v0;
	vm11 =	veq.s32 v25, v1  }
0x31: {  	v47 =	vld [tilespmem:$0xA0];
	vm12 =	veq.s32 v28, v0;
	v11 =	vnsel vm0, $0x0, v3;
	v3 =	vnsel vm14, $0x0, v3  }
0x32: {  	v45 =	vld [tilespmem:$0x260];
	vm14 =	veq.s32 v59, v0;
	v10 =	vnsel vm15, $0x0, v61;
	v16 =	vnsel vm6, $0x0, v22  }
0x33: {  	v50 =	vld [tilespmem:$0x2A0];
	v30 =	vnsel vm7, $0x0, v22;
	v35 =	vnsel vm10, $0x0, v27;
	v4 =	vnsel vm11, $0x0, v27  }
0x34: {  	v52 =	vld [tilespmem:$0xE0];
	v38 =	vnsel vm12, $0x0, v29;
	vm15 =	veq.s32 v31, v1;
	vm6 =	veq.s32 v37, v0  }
0x35: {  	v2 =	vld [tilespmem:$0x300];
	vm7 =	veq.s32 v37, v1;
	vm10 =	veq.s32 v43, v0;
	vm11 =	veq.s32 v43, v1  }
0x36: {  	v24 =	vld [tilespmem:$0x290];
	vm12 =	veq.s32 v47, v0;
	v11 =	vadd.f32 v12, v11;
	v3 =	vadd.f32 v5, v3  }
0x37: {  	v54 =	vld [tilespmem:$0x2E0];
	v15 =	vnsel vm14, $0x0, v61;
	vm14 =	veq.s32 v31, v0;
	v8 =	vnsel vm15, $0x0, v33  }
0x38: {  	v42 =	vld [tilespmem:$0x20];
	v48 =	vnsel vm6, $0x0, v39;
	v51 =	vnsel vm7, $0x0, v39;
	v59 =	vnsel vm11, $0x0, v45  }
0x39: {  	v61 =	vnsel vm12, $0x0, v50;
	vm15 =	veq.s32 v52, v1;
	v41 =	vnsel vm14, $0x0, v33  }
0x3a: {  	v34 =	vld [tilespmem:$0x190];
	vm14 =	veq.s32 v52, v0;
	v11 =	vadd.f32 v13, v11;
	v60 =	vnsel vm8, $0x0, v2  }
0x3b: {  	v36 =	vld [tilespmem:$0x390];
	v3 =	vadd.f32 v7, v3;
	v2 =	vnsel vm9, $0x0, v2;
	v7 =	vadd.f32 $0.0e+00, v62  }
0x3c: {  	v20 =	vld [tilespmem:$0x1A0];
	vm8 =	veq.s32 v23, v0;
	vm9 =	veq.s32 v23, v1;
	v23 =	vnsel vm15, $0x0, v54  }
0x3d: {  	v22 =	vld [tilespmem:$0x3A0];
	v32 =	vnsel vm8, $0x0, v24;
	v9 =	vnsel vm9, $0x0, v24;
	vm8 =	veq.s32 v42, v0  }
0x3e: {  	v43 =	vld [tilespmem:$0x130];
	vm9 =	veq.s32 v42, v1;
	v11 =	vadd.f32 v56, v11;
	v3 =	vadd.f32 v58, v3  }
0x3f: {  	v26 =	vnsel vm4, $0x0, v7;
	v7 =	vnsel vm5, $0x0, v7;
	vm4 =	veq.s32 v34, v0  }
0x40: {  	v33 =	vld [tilespmem:$0x70];
	vm5 =	veq.s32 v34, v1;
	v53 =	vnsel vm8, $0x0, v49;
	v55 =	vnsel vm9, $0x0, v49  }
0x41: {  	vm8 =	veq.s32 v20, v0;
	vm9 =	veq.s32 v20, v1;
	v5 =	vadd.f32 v16, v26  }
0x42: {  	v7 =	vadd.f32 v30, v7;
	v44 =	vnsel vm4, $0x0, v36;
	v46 =	vnsel vm5, $0x0, v36  }
0x43: {  	v24 =	vld [tilespmem:$0x1E0];
	v34 =	vnsel vm9, $0x0, v22;
	vm9 =	veq.s32 v43, v1;
	v11 =	vadd.f32 v60, v11  }
0x44: {  	v2 =	vadd.f32 v2, v3;
	v3 =	vnsel vm13, $0x0, v57;
	vm13 =	veq.s32 v28, v1  }
0x45: {  	v56 =	vld [tilespmem:$0x120];
	v57 =	vnsel vm10, $0x0, v45;
	vm15 =	veq.s32 v33, v1;
	v5 =	vadd.f32 v32, v5  }
0x46: {  	v58 =	vld [tilespmem:$0x320];
	v7 =	vadd.f32 v9, v7;
	v6 =	vnsel vm13, $0x0, v29;
	vm13 =	veq.s32 v47, v1  }
0x47: {  	v26 =	vld [tilespmem:$0x3E0];
	v32 =	vnsel vm8, $0x0, v22;
	vm8 =	veq.s32 v43, v0;
	v11 =	vadd.f32 v63, v11  }
0x48: {  	v30 =	vld [tilespmem:$0x30];
	v2 =	vadd.f32 v19, v2;
	v63 =	vnsel vm13, $0x0, v50;
	vm10 =	veq.s32 v24, v0  }
0x49: {  	v37 =	vld [tilespmem:$0xB0];
	vm11 =	veq.s32 v24, v1;
	v5 =	vadd.f32 v35, v5;
	v4 =	vadd.f32 v4, v7  }
0x4a: {  	v60 =	vld [tilespmem:$0x160];
	v7 =	vadd.f32 v59, v55;
	vm4 =	veq.s32 v56, v0;
	vm5 =	veq.s32 v56, v1  }
0x4b: {  	v28 =	vld [tilespmem:$0x230];
	v11 =	vadd.f32 v21, v11;
	v3 =	vadd.f32 v3, v2;
	v21 =	vnsel vm14, $0x0, v54  }
0x4c: {  	v45 =	vld [tilespmem:$0x330];
	v25 =	vnsel vm4, $0x0, v58;
	v27 =	vnsel vm5, $0x0, v58;
	v36 =	vnsel vm10, $0x0, v26  }
0x4d: {  	v62 =	vld [tilespmem:$0x360];
	vm12 =	veq.s32 v30, v0;
	vm13 =	veq.s32 v30, v1;
	vm14 =	veq.s32 v33, v0  }
0x4e: {  	v40 =	vld [tilespmem:$0xF0];
	vm4 =	veq.s32 v37, v0;
	v5 =	vadd.f32 v38, v5;
	v4 =	vadd.f32 v6, v4  }
0x4f: {  	v47 =	vld [tilespmem:$0x170];
	vm5 =	veq.s32 v37, v1;
	v6 =	vadd.f32 v57, v53;
	v7 =	vadd.f32 v63, v7  }
0x50: {  	vm6 =	veq.s32 v60, v0;
	vm7 =	veq.s32 v60, v1;
	v9 =	vadd.f32 $0.0e+00, v28  }
0x51: {  	v49 =	vld [tilespmem:$0x370];
	v54 =	vnsel vm8, $0x0, v45;
	v56 =	vnsel vm9, $0x0, v45;
	v2 =	vadd.f32 v15, v11  }
0x52: {  	v35 =	vld [tilespmem:$0x270];
	v3 =	vadd.f32 v10, v3;
	v29 =	vnsel vm6, $0x0, v62;
	v31 =	vnsel vm7, $0x0, v62  }
0x53: {  	v10 =	vnsel vm11, $0x0, v26;
	vm6 =	veq.s32 v40, v0;
	vm7 =	veq.s32 v40, v1  }
0x54: {  	v38 =	vld [tilespmem:$0x2B0];
	vm10 =	veq.s32 v47, v0;
	v5 =	vadd.f32 v41, v5;
	v4 =	vadd.f32 v8, v4  }
0x55: {  	vm11 =	veq.s32 v47, v1;
	v6 =	vadd.f32 v61, v6;
	v7 =	vadd.f32 v23, v7  }
0x56: {  	v39 =	vnsel vm12, $0x0, v9;
	v9 =	vnsel vm13, $0x0, v9;
	v41 =	vld [tilespmem:$0x2F0];
	v58 =	vnsel vm10, $0x0, v49  }
0x57: {  	v42 =	vnsel vm14, $0x0, v35;
	v5 =	vadd.f32 v44, v5;
	v4 =	vadd.f32 v46, v4  }
0x58: {  	v6 =	vadd.f32 v21, v6;
	v8 =	vadd.f32 v42, v39;
	v44 =	vnsel vm15, $0x0, v35  }
0x59: {  	v55 =	vld [tilespmem:$0x1F0];
	v7 =	vadd.f32 v27, v7;
	v9 =	vadd.f32 v44, v9;
	v46 =	vnsel vm4, $0x0, v38  }
0x5a: {  	v5 =	vadd.f32 v48, v5;
	v8 =	vadd.f32 v46, v8;
	v48 =	vnsel vm5, $0x0, v38  }
0x5b: {  	v4 =	vadd.f32 v51, v4;
	v51 =	vld [tilespmem:$0x1B0];
	v9 =	vadd.f32 v48, v9;
	v50 =	vnsel vm6, $0x0, v41  }
0x5c: {  	v53 =	vld [tilespmem:$0x3B0];
	v6 =	vadd.f32 v25, v6;
	v52 =	vnsel vm7, $0x0, v41;
	v8 =	vadd.f32 v50, v8  }
0x5d: {  	v59 =	vnsel vm11, $0x0, v49;
	v7 =	vadd.f32 v31, v7;
	v9 =	vadd.f32 v52, v9  }
0x5e: {  	v57 =	vld [tilespmem:$0x3F0];
	vm14 =	veq.s32 v55, v0;
	v6 =	vadd.f32 v29, v6;
	v8 =	vadd.f32 v54, v8  }
0x5f: {  	vm15 =	veq.s32 v55, v1;
	v7 =	vadd.f32 v34, v7;
	v9 =	vadd.f32 v56, v9  }
0x60: {  	[tilespmem:$0x400] =	vst v2;
	v6 =	vadd.f32 v32, v6;
	vm12 =	veq.s32 v51, v0;
	v2 =	vadd.f32 v58, v8  }
0x61: {  	[tilespmem:$0x440] =	vst v3;
	vm13 =	veq.s32 v51, v1;
	v60 =	vnsel vm12, $0x0, v53;
	v3 =	vadd.f32 v59, v9  }
0x62: {  	[tilespmem:$0x410] =	vst v5;
	v7 =	vadd.f32 v10, v7;
	v61 =	vnsel vm13, $0x0, v53;
	v2 =	vadd.f32 v60, v2  }
0x63: {  	v62 =	vnsel vm14, $0x0, v57;
	[tilespmem:$0x450] =	vst v4;
	v6 =	vadd.f32 v36, v6;
	v3 =	vadd.f32 v61, v3  }
0x64: {  	v63 =	vnsel vm15, $0x0, v57;
	[tilespmem:$0x460] =	vst v7;
	v2 =	vadd.f32 v62, v2  }
0x65: {  	[tilespmem:$0x420] =	vst v6;
	v3 =	vadd.f32 v63, v3  }
0x66: {  	p0 =	sne.s32 s6, $0x1;
	[tilespmem:$0x430] =	vst v2  }
.Ltmp0:
0x67: {  	[tilespmem:$0x470] =	vst v3;
	(pc) =	sbr.rel @p0 .LBB2_1-.Ltmp0, $4  }
0x68: {  	[hbm4b:s5+s2] =	stream.linear.scatter [tilespmem:s9], [sflag:$0x1], $0x80, $0x38;
	[tilespmem:$0x480] =	vst v63  }
0x69: {  	_ =	swait.ge [sflag:s7], $0x80  }
0x6a: {  	[sflag:s7] =	ssyncset.done $0x0  }
0x6b: {  	s6 =	sadd.s32 $0xFFFFFFFF, s6;
	[sflag:s7] =	ssyncadd.s32 $0xFFFFFF80  }
0x6c: {  	_ =	sfence.sel $0x180000  }
0x6d: {  	[bflag:$0x0] =	sbarrier.arrive $0xFFFF  }
0x6e: {  	p0 =	sne.s32 s1, $0x0;
	_ =	strace $0x90000047  }
0x6f: {  	s0 =	sadd.s32 @!p0 $0x100000, s0;
	[bflag:$0x2] =	sbarrier.arrive $0xFFFF  }
0x70: {  	[sflag:s0] =	ssyncadd.tile.s32 @!p0 $0x1;
	_ =	shalt  }
.Lfunc_end2:
_tile_overlayer_lowered:
.L_overlay_start_2:
0x71: {  	(tag) =	ssettag $0x2  }
0x72: {  	s0 =	rddreg [dreg:$0x0];
	s2 =	stileid.u32  }
0x73: {  	s1 =	rddreg [dreg:$0x1];
	p0 =	sne.s32 s2, $0x0  }
0x74: {  	s3 =	rddreg [dreg:$0x2];
	[bflag:$0x3] =	sbarrier.arrive $0xFFFF;
	s2 =	simm.s32 @!p0 $0x1C01  }
0x75: {  	[timem:s3], [sflag:s2] =	dma.local @!p0 [hbm:s0], s1  }
0x76: {  	s0 =	simm.s32 @!p0 $0x1  }
0x77: {  	_ =	swait.ge @!p0 [sflag:s0], s1  }
0x78: {  	s1 =	ssub.s32 @!p0 $0x0, s1;
	[sflag:s0] =	ssyncset.done @!p0 $0x0  }
0x79: {  	[sflag:s0] =	ssyncadd.s32 @!p0 s1  }
0x7a: {  	[bflag:$0x3] =	sbarrier.arrive $0xFFFF  }
0x7b: {  	_ =	shalt  }

</sc_bundles>
